<compile_context>
chip_gen: v7x
topology: tpu7x:2x2x1
jax: 0.10.2.dev20260603
libtpu: 0.0.44.dev20260713+nightly
codegen_flags: <defaults>
</compile_context>

<pallas_src>
import functools

import jax
import jax.numpy as jnp
import numpy as np
from jax import lax
from jax.experimental import pallas as pl
from jax.experimental.pallas import tpu as pltpu
from jax.experimental.pallas import tpu_sc as plsc

_G = 4
_H, _W = 2048, 4096
_NGH, _NGW = _H // _G, _W // _G
_BR = 256
_NC, _NS = 2, 16
_NWORK = _NC * _NS
_ROWS_PER_W = _NGH // _NWORK
_ELEMS_PER_W = _ROWS_PER_W * _W


def _sc_ones():
    mesh = plsc.VectorSubcoreMesh(core_axis_name="c", subcore_axis_name="s")

    @functools.partial(
        pl.kernel,
        out_type=jax.ShapeDtypeStruct((_NGH * _W,), jnp.float32),
        mesh=mesh,
        scratch_types=[pltpu.VMEM((_ELEMS_PER_W,), jnp.float32)],
    )
    def sc_build(out_hbm, buf_v):
        wid = lax.axis_index("s") * _NC + lax.axis_index("c")
        ones = jnp.full((16,), 1.0, jnp.float32)

        @pl.loop(0, _ELEMS_PER_W, step=64)
        def _(i):
            for j in range(4):
                buf_v[pl.ds(i + 16 * j, 16)] = ones

        pltpu.sync_copy(buf_v, out_hbm.at[pl.ds(wid * _ELEMS_PER_W, _ELEMS_PER_W)])

    return sc_build()


def _mul_body(x_ref, m_ref, o_ref):
    for k in range(_BR // _G):
        o_ref[_G * k:_G * (k + 1), :] = (
            x_ref[_G * k:_G * (k + 1), :] * m_ref[k:k + 1, :]
        )


def kernel(spectrogram):
    x = spectrogram.reshape(_H, _W)
    m = _sc_ones().reshape(_NGH, _W)
    out = pl.pallas_call(
        _mul_body,
        grid=(_H // _BR,),
        in_specs=[
            pl.BlockSpec((_BR, _W), lambda i: (i, 0)),
            pl.BlockSpec((_BR // _G, _W), lambda i: (i, 0)),
        ],
        out_specs=pl.BlockSpec((_BR, _W), lambda i: (i, 0)),
        out_shape=jax.ShapeDtypeStruct((_H, _W), jnp.float32),
        compiler_params=pltpu.CompilerParams(
            dimension_semantics=("arbitrary",),
        ),
    )(x, m)
    return out.reshape(1, _H, _W)

# --- scband reference (transcript-rebuilt; emitter-appended) ---
"""Pipeline reference for scband-grouped-masking-6751688589907 (READ-ONLY COPY).

The authoritative reference and input builder live on the scoring server;
editing this copy changes nothing except your own understanding.
"""

import jax, jax.numpy as jnp
import numpy as np

MASK_RATIO = 0.5
GROUP_SIZE = 4


def setup_inputs(seed: int = 0) -> dict:
    key = jax.random.key(seed)
    spectrogram = jax.random.normal(key, (1, 2048, 4096), dtype=jnp.float32)
    return {"spectrogram": spectrogram}


def reference(spectrogram):
    # spectrogram: (1, H, W)
    g = GROUP_SIZE
    _, height, width = spectrogram.shape
    num_groups_h = height // g
    num_groups_w = width // g
    num_groups = num_groups_h * num_groups_w
    num_masked_groups = int(MASK_RATIO * num_groups)

    # view -> (1, Hg, g, Wg, g) -> permute -> (1, Hg, Wg, g, g)
    x = spectrogram.reshape(1, num_groups_h, g, num_groups_w, g)
    x = jnp.transpose(x, (0, 1, 3, 2, 4))

    # deterministic stand-in for torch.randperm
    mkey = jax.random.key(42)
    perm = jax.random.permutation(mkey, num_groups)
    masked_indices = perm[:num_masked_groups]
    mask = jnp.ones((num_groups,), dtype=spectrogram.dtype)
    mask = mask.at[masked_indices].set(0.0)  # scatter-overwrite
    mask = mask.reshape(num_groups_h, num_groups_w, 1, 1)
    mask = jnp.broadcast_to(mask, (num_groups_h, num_groups_w, g, g))

    masked = x * mask
    masked = jnp.transpose(masked, (0, 1, 3, 2, 4))
    masked = masked.reshape(1, height, width)
    return masked

if __name__ == "__main__":
    import jax
    _d = setup_inputs()
    print(jax.jit(kernel)(*tuple(_d.values())))

</pallas_src>

<mosaic_0001>
#map = affine_map<(d0, d1) -> (0)>
module attributes {stable_mosaic.version = 14 : i64} {
  func.func @sc_build(%arg0: i32, %arg1: i32, %arg2: memref<2097152xf32, #tpu.memory_space<hbm>>, %arg3: memref<65536xf32, #tpu.memory_space<vmem>>) attributes {dimension_semantics = [#tpu.dimension_semantics<core_parallel>, #tpu.dimension_semantics<subcore_parallel>], iteration_bounds = array<i64: 2, 16>, scalar_prefetch = 0 : i64, scratch_operands = 1 : i64, tpu.core_type = #tpu.core_type<sc_vector_subcore>, window_params = [{transform_indices = #map}]} {
    %mul3A = arith.constant 2 : i32
    %mul3A_0 = arith.muli %arg1, %mul3A : i32
    %add3A = arith.addi %mul3A_0, %arg0 : i32
    %broadcast_in_dim3A = arith.constant 1.000000e+00 : f32
    %broadcast_in_dim3A_1 = vector.broadcast %broadcast_in_dim3A : f32 to vector<16xf32>
    %scan3A = arith.constant 0 : i32
    %scan3A_2 = arith.constant 1024 : i32
    %scan3A_3 = arith.addi %scan3A, %scan3A_2 : i32
    %scan3A_4 = arith.constant 1 : i32
    scf.for %scan3A_8 = %scan3A to %scan3A_3 step %scan3A_4  : i32 {
      %mul3A_9 = arith.constant 64 : i32
      %mul3A_10 = arith.muli %scan3A_8, %mul3A_9 : i32
      %add3A_11 = arith.constant 0 : i32
      %add3A_12 = arith.addi %add3A_11, %mul3A_10 : i32
      %add3A_13 = arith.constant 0 : i32
      %add3A_14 = arith.addi %add3A_12, %add3A_13 : i32
      %swap3A = arith.index_cast %add3A_14 : i32 to index
      %swap3A_15 = tpu.vector_load %arg3[%swap3A] {strides = array<i32>} : memref<65536xf32, #tpu.memory_space<vmem>>, vector<16xf32>,
      %swap3A_16 = vector.shape_cast %swap3A_15 : vector<16xf32> to vector<16xf32>
      %swap3A_17 = vector.shape_cast %broadcast_in_dim3A_1 : vector<16xf32> to vector<16xf32>
      tpu.vector_store %arg3[%swap3A], %swap3A_17 {strides = array<i32>} : memref<65536xf32, #tpu.memory_space<vmem>>, vector<16xf32>,
      %add3A_18 = arith.constant 16 : i32
      %add3A_19 = arith.addi %add3A_12, %add3A_18 : i32
      %swap3A_20 = arith.index_cast %add3A_19 : i32 to index
      %swap3A_21 = tpu.vector_load %arg3[%swap3A_20] {strides = array<i32>} : memref<65536xf32, #tpu.memory_space<vmem>>, vector<16xf32>,
      %swap3A_22 = vector.shape_cast %swap3A_21 : vector<16xf32> to vector<16xf32>
      %swap3A_23 = vector.shape_cast %broadcast_in_dim3A_1 : vector<16xf32> to vector<16xf32>
      tpu.vector_store %arg3[%swap3A_20], %swap3A_23 {strides = array<i32>} : memref<65536xf32, #tpu.memory_space<vmem>>, vector<16xf32>,
      %add3A_24 = arith.constant 32 : i32
      %add3A_25 = arith.addi %add3A_12, %add3A_24 : i32
      %swap3A_26 = arith.index_cast %add3A_25 : i32 to index
      %swap3A_27 = tpu.vector_load %arg3[%swap3A_26] {strides = array<i32>} : memref<65536xf32, #tpu.memory_space<vmem>>, vector<16xf32>,
      %swap3A_28 = vector.shape_cast %swap3A_27 : vector<16xf32> to vector<16xf32>
      %swap3A_29 = vector.shape_cast %broadcast_in_dim3A_1 : vector<16xf32> to vector<16xf32>
      tpu.vector_store %arg3[%swap3A_26], %swap3A_29 {strides = array<i32>} : memref<65536xf32, #tpu.memory_space<vmem>>, vector<16xf32>,
      %add3A_30 = arith.constant 48 : i32
      %add3A_31 = arith.addi %add3A_12, %add3A_30 : i32
      %swap3A_32 = arith.index_cast %add3A_31 : i32 to index
      %swap3A_33 = tpu.vector_load %arg3[%swap3A_32] {strides = array<i32>} : memref<65536xf32, #tpu.memory_space<vmem>>, vector<16xf32>,
      %swap3A_34 = vector.shape_cast %swap3A_33 : vector<16xf32> to vector<16xf32>
      %swap3A_35 = vector.shape_cast %broadcast_in_dim3A_1 : vector<16xf32> to vector<16xf32>
      tpu.vector_store %arg3[%swap3A_32], %swap3A_35 {strides = array<i32>} : memref<65536xf32, #tpu.memory_space<vmem>>, vector<16xf32>,
    }
    %scan3A_5 = arith.constant 1024 : i32
    %mul3A_6 = arith.constant 65536 : i32
    %mul3A_7 = arith.muli %add3A, %mul3A_6 : i32
    "tpu.region"() ({
      %run_scoped3A = tpu.sem_alloc : memref<!tpu.dma_semaphore, #tpu.memory_space<semaphore_mem>>
      %dma_start3A = tpu.memref_slice %arg2[%mul3A_7] : memref<2097152xf32, #tpu.memory_space<hbm>> -> memref<65536xf32, #tpu.memory_space<hbm>>
      %dma_start3A_8 = tpu.memref_slice %arg2[%mul3A_7] : memref<2097152xf32, #tpu.memory_space<hbm>> -> memref<65536xf32, #tpu.memory_space<hbm>>
      tpu.enqueue_dma source(%arg3 : memref<65536xf32, #tpu.memory_space<vmem>>) target(%dma_start3A_8 : memref<65536xf32, #tpu.memory_space<hbm>>) target_semaphore(%run_scoped3A : memref<!tpu.dma_semaphore, #tpu.memory_space<semaphore_mem>>)
      %dma_wait3A = tpu.memref_slice %arg2[%mul3A_7] : memref<2097152xf32, #tpu.memory_space<hbm>> -> memref<65536xf32, #tpu.memory_space<hbm>>
      %dma_wait3A_9 = tpu.memref_slice %arg2[%mul3A_7] : memref<2097152xf32, #tpu.memory_space<hbm>> -> memref<65536xf32, #tpu.memory_space<hbm>>
      tpu.wait_dma2 semaphore(%run_scoped3A : memref<!tpu.dma_semaphore, #tpu.memory_space<semaphore_mem>>) src(%arg3 : memref<65536xf32, #tpu.memory_space<vmem>>) dst(%dma_wait3A_9 : memref<65536xf32, #tpu.memory_space<hbm>>)
      tpu.yield
    }) : () -> ()
    return
  }
}

module attributes {stable_mosaic.version = 14 : i64} {
  func.func @_mul_body(%arg0: i32, %arg1: memref<256x4096xf32, #tpu.memory_space<vmem>>, %arg2: memref<64x4096xf32, #tpu.memory_space<vmem>>, %arg3: memref<256x4096xf32, #tpu.memory_space<vmem>>) attributes {dimension_semantics = [#tpu.dimension_semantics<arbitrary>], iteration_bounds = array<i64: 8>, scalar_prefetch = 0 : i64, scratch_operands = 0 : i64, tpu.core_type = #tpu.core_type<tc>, window_params = [{transform_indices = @transform_0, window_bounds = array<i64: 256, 4096>}, {transform_indices = @transform_1, window_bounds = array<i64: 64, 4096>}, {transform_indices = @transform_2, window_bounds = array<i64: 256, 4096>}]} {
    %get3A = arith.constant 0 : index
    %get3A_0 = arith.constant 0 : index
    %get3A_1 = vector.load %arg1[%get3A, %get3A_0] : memref<256x4096xf32, #tpu.memory_space<vmem>>, vector<4x4096xf32>
    %get3A_2 = arith.constant 0 : index
    %get3A_3 = arith.constant 0 : index
    %get3A_4 = vector.load %arg2[%get3A_2, %get3A_3] : memref<64x4096xf32, #tpu.memory_space<vmem>>, vector<1x4096xf32>
    %mul3A = vector.broadcast %get3A_4 : vector<1x4096xf32> to vector<4x4096xf32>
    %mul3A_5 = arith.mulf %get3A_1, %mul3A : vector<4x4096xf32>
    %swap3A = arith.constant 0 : index
    %swap3A_6 = arith.constant 0 : index
    %swap3A_7 = vector.load %arg3[%swap3A, %swap3A_6] : memref<256x4096xf32, #tpu.memory_space<vmem>>, vector<4x4096xf32>
    tpu.vector_store %arg3[%swap3A, %swap3A_6], %mul3A_5 {strides = array<i32>} : memref<256x4096xf32, #tpu.memory_space<vmem>>, vector<4x4096xf32>,
    %get3A_8 = arith.constant 4 : index
    %get3A_9 = arith.constant 0 : index
    %get3A_10 = vector.load %arg1[%get3A_8, %get3A_9] : memref<256x4096xf32, #tpu.memory_space<vmem>>, vector<4x4096xf32>
    %get3A_11 = arith.constant 1 : index
    %get3A_12 = arith.constant 0 : index
    %get3A_13 = vector.load %arg2[%get3A_11, %get3A_12] : memref<64x4096xf32, #tpu.memory_space<vmem>>, vector<1x4096xf32>
    %mul3A_14 = vector.broadcast %get3A_13 : vector<1x4096xf32> to vector<4x4096xf32>
    %mul3A_15 = arith.mulf %get3A_10, %mul3A_14 : vector<4x4096xf32>
    %swap3A_16 = arith.constant 4 : index
    %swap3A_17 = arith.constant 0 : index
    %swap3A_18 = vector.load %arg3[%swap3A_16, %swap3A_17] : memref<256x4096xf32, #tpu.memory_space<vmem>>, vector<4x4096xf32>
    tpu.vector_store %arg3[%swap3A_16, %swap3A_17], %mul3A_15 {strides = array<i32>} : memref<256x4096xf32, #tpu.memory_space<vmem>>, vector<4x4096xf32>,
    %get3A_19 = arith.constant 8 : index
    %get3A_20 = arith.constant 0 : index
    %get3A_21 = vector.load %arg1[%get3A_19, %get3A_20] : memref<256x4096xf32, #tpu.memory_space<vmem>>, vector<4x4096xf32>
    %get3A_22 = arith.constant 2 : index
    %get3A_23 = arith.constant 0 : index
    %get3A_24 = vector.load %arg2[%get3A_22, %get3A_23] : memref<64x4096xf32, #tpu.memory_space<vmem>>, vector<1x4096xf32>
    %mul3A_25 = vector.broadcast %get3A_24 : vector<1x4096xf32> to vector<4x4096xf32>
    %mul3A_26 = arith.mulf %get3A_21, %mul3A_25 : vector<4x4096xf32>
    %swap3A_27 = arith.constant 8 : index
    %swap3A_28 = arith.constant 0 : index
    %swap3A_29 = vector.load %arg3[%swap3A_27, %swap3A_28] : memref<256x4096xf32, #tpu.memory_space<vmem>>, vector<4x4096xf32>
    tpu.vector_store %arg3[%swap3A_27, %swap3A_28], %mul3A_26 {strides = array<i32>} : memref<256x4096xf32, #tpu.memory_space<vmem>>, vector<4x4096xf32>,
    %get3A_30 = arith.constant 12 : index
    %get3A_31 = arith.constant 0 : index
    %get3A_32 = vector.load %arg1[%get3A_30, %get3A_31] : memref<256x4096xf32, #tpu.memory_space<vmem>>, vector<4x4096xf32>
    %get3A_33 = arith.constant 3 : index
    %get3A_34 = arith.constant 0 : index
    %get3A_35 = vector.load %arg2[%get3A_33, %get3A_34] : memref<64x4096xf32, #tpu.memory_space<vmem>>, vector<1x4096xf32>
    %mul3A_36 = vector.broadcast %get3A_35 : vector<1x4096xf32> to vector<4x4096xf32>
    %mul3A_37 = arith.mulf %get3A_32, %mul3A_36 : vector<4x4096xf32>
    %swap3A_38 = arith.constant 12 : index
    %swap3A_39 = arith.constant 0 : index
    %swap3A_40 = vector.load %arg3[%swap3A_38, %swap3A_39] : memref<256x4096xf32, #tpu.memory_space<vmem>>, vector<4x4096xf32>
    tpu.vector_store %arg3[%swap3A_38, %swap3A_39], %mul3A_37 {strides = array<i32>} : memref<256x4096xf32, #tpu.memory_space<vmem>>, vector<4x4096xf32>,
    %get3A_41 = arith.constant 16 : index
    %get3A_42 = arith.constant 0 : index
    %get3A_43 = vector.load %arg1[%get3A_41, %get3A_42] : memref<256x4096xf32, #tpu.memory_space<vmem>>, vector<4x4096xf32>
    %get3A_44 = arith.constant 4 : index
    %get3A_45 = arith.constant 0 : index
    %get3A_46 = vector.load %arg2[%get3A_44, %get3A_45] : memref<64x4096xf32, #tpu.memory_space<vmem>>, vector<1x4096xf32>
    %mul3A_47 = vector.broadcast %get3A_46 : vector<1x4096xf32> to vector<4x4096xf32>
    %mul3A_48 = arith.mulf %get3A_43, %mul3A_47 : vector<4x4096xf32>
    %swap3A_49 = arith.constant 16 : index
    %swap3A_50 = arith.constant 0 : index
    %swap3A_51 = vector.load %arg3[%swap3A_49, %swap3A_50] : memref<256x4096xf32, #tpu.memory_space<vmem>>, vector<4x4096xf32>
    tpu.vector_store %arg3[%swap3A_49, %swap3A_50], %mul3A_48 {strides = array<i32>} : memref<256x4096xf32, #tpu.memory_space<vmem>>, vector<4x4096xf32>,
    %get3A_52 = arith.constant 20 : index
    %get3A_53 = arith.constant 0 : index
    %get3A_54 = vector.load %arg1[%get3A_52, %get3A_53] : memref<256x4096xf32, #tpu.memory_space<vmem>>, vector<4x4096xf32>
    %get3A_55 = arith.constant 5 : index
    %get3A_56 = arith.constant 0 : index
    %get3A_57 = vector.load %arg2[%get3A_55, %get3A_56] : memref<64x4096xf32, #tpu.memory_space<vmem>>, vector<1x4096xf32>
    %mul3A_58 = vector.broadcast %get3A_57 : vector<1x4096xf32> to vector<4x4096xf32>
    %mul3A_59 = arith.mulf %get3A_54, %mul3A_58 : vector<4x4096xf32>
    %swap3A_60 = arith.constant 20 : index
    %swap3A_61 = arith.constant 0 : index
    %swap3A_62 = vector.load %arg3[%swap3A_60, %swap3A_61] : memref<256x4096xf32, #tpu.memory_space<vmem>>, vector<4x4096xf32>
    tpu.vector_store %arg3[%swap3A_60, %swap3A_61], %mul3A_59 {strides = array<i32>} : memref<256x4096xf32, #tpu.memory_space<vmem>>, vector<4x4096xf32>,
    %get3A_63 = arith.constant 24 : index
    %get3A_64 = arith.constant 0 : index
    %get3A_65 = vector.load %arg1[%get3A_63, %get3A_64] : memref<256x4096xf32, #tpu.memory_space<vmem>>, vector<4x4096xf32>
    %get3A_66 = arith.constant 6 : index
    %get3A_67 = arith.constant 0 : index
    %get3A_68 = vector.load %arg2[%get3A_66, %get3A_67] : memref<64x4096xf32, #tpu.memory_space<vmem>>, vector<1x4096xf32>
    %mul3A_69 = vector.broadcast %get3A_68 : vector<1x4096xf32> to vector<4x4096xf32>
    %mul3A_70 = arith.mulf %get3A_65, %mul3A_69 : vector<4x4096xf32>
    %swap3A_71 = arith.constant 24 : index
    %swap3A_72 = arith.constant 0 : index
    %swap3A_73 = vector.load %arg3[%swap3A_71, %swap3A_72] : memref<256x4096xf32, #tpu.memory_space<vmem>>, vector<4x4096xf32>
    tpu.vector_store %arg3[%swap3A_71, %swap3A_72], %mul3A_70 {strides = array<i32>} : memref<256x4096xf32, #tpu.memory_space<vmem>>, vector<4x4096xf32>,
    %get3A_74 = arith.constant 28 : index
    %get3A_75 = arith.constant 0 : index
    %get3A_76 = vector.load %arg1[%get3A_74, %get3A_75] : memref<256x4096xf32, #tpu.memory_space<vmem>>, vector<4x4096xf32>
    %get3A_77 = arith.constant 7 : index
    %get3A_78 = arith.constant 0 : index
    %get3A_79 = vector.load %arg2[%get3A_77, %get3A_78] : memref<64x4096xf32, #tpu.memory_space<vmem>>, vector<1x4096xf32>
    %mul3A_80 = vector.broadcast %get3A_79 : vector<1x4096xf32> to vector<4x4096xf32>
    %mul3A_81 = arith.mulf %get3A_76, %mul3A_80 : vector<4x4096xf32>
    %swap3A_82 = arith.constant 28 : index
    %swap3A_83 = arith.constant 0 : index
    %swap3A_84 = vector.load %arg3[%swap3A_82, %swap3A_83] : memref<256x4096xf32, #tpu.memory_space<vmem>>, vector<4x4096xf32>
    tpu.vector_store %arg3[%swap3A_82, %swap3A_83], %mul3A_81 {strides = array<i32>} : memref<256x4096xf32, #tpu.memory_space<vmem>>, vector<4x4096xf32>,
    %get3A_85 = arith.constant 32 : index
    %get3A_86 = arith.constant 0 : index
    %get3A_87 = vector.load %arg1[%get3A_85, %get3A_86] : memref<256x4096xf32, #tpu.memory_space<vmem>>, vector<4x4096xf32>
    %get3A_88 = arith.constant 8 : index
    %get3A_89 = arith.constant 0 : index
    %get3A_90 = vector.load %arg2[%get3A_88, %get3A_89] : memref<64x4096xf32, #tpu.memory_space<vmem>>, vector<1x4096xf32>
    %mul3A_91 = vector.broadcast %get3A_90 : vector<1x4096xf32> to vector<4x4096xf32>
    %mul3A_92 = arith.mulf %get3A_87, %mul3A_91 : vector<4x4096xf32>
    %swap3A_93 = arith.constant 32 : index
    %swap3A_94 = arith.constant 0 : index
    %swap3A_95 = vector.load %arg3[%swap3A_93, %swap3A_94] : memref<256x4096xf32, #tpu.memory_space<vmem>>, vector<4x4096xf32>
    tpu.vector_store %arg3[%swap3A_93, %swap3A_94], %mul3A_92 {strides = array<i32>} : memref<256x4096xf32, #tpu.memory_space<vmem>>, vector<4x4096xf32>,
    %get3A_96 = arith.constant 36 : index
    %get3A_97 = arith.constant 0 : index
    %get3A_98 = vector.load %arg1[%get3A_96, %get3A_97] : memref<256x4096xf32, #tpu.memory_space<vmem>>, vector<4x4096xf32>
    %get3A_99 = arith.constant 9 : index
    %get3A_100 = arith.constant 0 : index
    %get3A_101 = vector.load %arg2[%get3A_99, %get3A_100] : memref<64x4096xf32, #tpu.memory_space<vmem>>, vector<1x4096xf32>
    %mul3A_102 = vector.broadcast %get3A_101 : vector<1x4096xf32> to vector<4x4096xf32>
    %mul3A_103 = arith.mulf %get3A_98, %mul3A_102 : vector<4x4096xf32>
    %swap3A_104 = arith.constant 36 : index
    %swap3A_105 = arith.constant 0 : index
    %swap3A_106 = vector.load %arg3[%swap3A_104, %swap3A_105] : memref<256x4096xf32, #tpu.memory_space<vmem>>, vector<4x4096xf32>
    tpu.vector_store %arg3[%swap3A_104, %swap3A_105], %mul3A_103 {strides = array<i32>} : memref<256x4096xf32, #tpu.memory_space<vmem>>, vector<4x4096xf32>,
    %get3A_107 = arith.constant 40 : index
    %get3A_108 = arith.constant 0 : index
    %get3A_109 = vector.load %arg1[%get3A_107, %get3A_108] : memref<256x4096xf32, #tpu.memory_space<vmem>>, vector<4x4096xf32>
    %get3A_110 = arith.constant 10 : index
    %get3A_111 = arith.constant 0 : index
    %get3A_112 = vector.load %arg2[%get3A_110, %get3A_111] : memref<64x4096xf32, #tpu.memory_space<vmem>>, vector<1x4096xf32>
    %mul3A_113 = vector.broadcast %get3A_112 : vector<1x4096xf32> to vector<4x4096xf32>
    %mul3A_114 = arith.mulf %get3A_109, %mul3A_113 : vector<4x4096xf32>
    %swap3A_115 = arith.constant 40 : index
    %swap3A_116 = arith.constant 0 : index
    %swap3A_117 = vector.load %arg3[%swap3A_115, %swap3A_116] : memref<256x4096xf32, #tpu.memory_space<vmem>>, vector<4x4096xf32>
    tpu.vector_store %arg3[%swap3A_115, %swap3A_116], %mul3A_114 {strides = array<i32>} : memref<256x4096xf32, #tpu.memory_space<vmem>>, vector<4x4096xf32>,
    %get3A_118 = arith.constant 44 : index
    %get3A_119 = arith.constant 0 : index
    %get3A_120 = vector.load %arg1[%get3A_118, %get3A_119] : memref<256x4096xf32, #tpu.memory_space<vmem>>, vector<4x4096xf32>
    %get3A_121 = arith.constant 11 : index
    %get3A_122 = arith.constant 0 : index
    %get3A_123 = vector.load %arg2[%get3A_121, %get3A_122] : memref<64x4096xf32, #tpu.memory_space<vmem>>, vector<1x4096xf32>
    %mul3A_124 = vector.broadcast %get3A_123 : vector<1x4096xf32> to vector<4x4096xf32>
    %mul3A_125 = arith.mulf %get3A_120, %mul3A_124 : vector<4x4096xf32>
    %swap3A_126 = arith.constant 44 : index
    %swap3A_127 = arith.constant 0 : index
    %swap3A_128 = vector.load %arg3[%swap3A_126, %swap3A_127] : memref<256x4096xf32, #tpu.memory_space<vmem>>, vector<4x4096xf32>
    tpu.vector_store %arg3[%swap3A_126, %swap3A_127], %mul3A_125 {strides = array<i32>} : memref<256x4096xf32, #tpu.memory_space<vmem>>, vector<4x4096xf32>,
    %get3A_129 = arith.constant 48 : index
    %get3A_130 = arith.constant 0 : index
    %get3A_131 = vector.load %arg1[%get3A_129, %get3A_130] : memref<256x4096xf32, #tpu.memory_space<vmem>>, vector<4x4096xf32>
    %get3A_132 = arith.constant 12 : index
    %get3A_133 = arith.constant 0 : index
    %get3A_134 = vector.load %arg2[%get3A_132, %get3A_133] : memref<64x4096xf32, #tpu.memory_space<vmem>>, vector<1x4096xf32>
    %mul3A_135 = vector.broadcast %get3A_134 : vector<1x4096xf32> to vector<4x4096xf32>
    %mul3A_136 = arith.mulf %get3A_131, %mul3A_135 : vector<4x4096xf32>
    %swap3A_137 = arith.constant 48 : index
    %swap3A_138 = arith.constant 0 : index
    %swap3A_139 = vector.load %arg3[%swap3A_137, %swap3A_138] : memref<256x4096xf32, #tpu.memory_space<vmem>>, vector<4x4096xf32>
    tpu.vector_store %arg3[%swap3A_137, %swap3A_138], %mul3A_136 {strides = array<i32>} : memref<256x4096xf32, #tpu.memory_space<vmem>>, vector<4x4096xf32>,
    %get3A_140 = arith.constant 52 : index
    %get3A_141 = arith.constant 0 : index
    %get3A_142 = vector.load %arg1[%get3A_140, %get3A_141] : memref<256x4096xf32, #tpu.memory_space<vmem>>, vector<4x4096xf32>
    %get3A_143 = arith.constant 13 : index
    %get3A_144 = arith.constant 0 : index
    %get3A_145 = vector.load %arg2[%get3A_143, %get3A_144] : memref<64x4096xf32, #tpu.memory_space<vmem>>, vector<1x4096xf32>
    %mul3A_146 = vector.broadcast %get3A_145 : vector<1x4096xf32> to vector<4x4096xf32>
    %mul3A_147 = arith.mulf %get3A_142, %mul3A_146 : vector<4x4096xf32>
    %swap3A_148 = arith.constant 52 : index
    %swap3A_149 = arith.constant 0 : index
    %swap3A_150 = vector.load %arg3[%swap3A_148, %swap3A_149] : memref<256x4096xf32, #tpu.memory_space<vmem>>, vector<4x4096xf32>
    tpu.vector_store %arg3[%swap3A_148, %swap3A_149], %mul3A_147 {strides = array<i32>} : memref<256x4096xf32, #tpu.memory_space<vmem>>, vector<4x4096xf32>,
    %get3A_151 = arith.constant 56 : index
    %get3A_152 = arith.constant 0 : index
    %get3A_153 = vector.load %arg1[%get3A_151, %get3A_152] : memref<256x4096xf32, #tpu.memory_space<vmem>>, vector<4x4096xf32>
    %get3A_154 = arith.constant 14 : index
    %get3A_155 = arith.constant 0 : index
    %get3A_156 = vector.load %arg2[%get3A_154, %get3A_155] : memref<64x4096xf32, #tpu.memory_space<vmem>>, vector<1x4096xf32>
    %mul3A_157 = vector.broadcast %get3A_156 : vector<1x4096xf32> to vector<4x4096xf32>
    %mul3A_158 = arith.mulf %get3A_153, %mul3A_157 : vector<4x4096xf32>
    %swap3A_159 = arith.constant 56 : index
    %swap3A_160 = arith.constant 0 : index
    %swap3A_161 = vector.load %arg3[%swap3A_159, %swap3A_160] : memref<256x4096xf32, #tpu.memory_space<vmem>>, vector<4x4096xf32>
    tpu.vector_store %arg3[%swap3A_159, %swap3A_160], %mul3A_158 {strides = array<i32>} : memref<256x4096xf32, #tpu.memory_space<vmem>>, vector<4x4096xf32>,
    %get3A_162 = arith.constant 60 : index
    %get3A_163 = arith.constant 0 : index
    %get3A_164 = vector.load %arg1[%get3A_162, %get3A_163] : memref<256x4096xf32, #tpu.memory_space<vmem>>, vector<4x4096xf32>
    %get3A_165 = arith.constant 15 : index
    %get3A_166 = arith.constant 0 : index
    %get3A_167 = vector.load %arg2[%get3A_165, %get3A_166] : memref<64x4096xf32, #tpu.memory_space<vmem>>, vector<1x4096xf32>
    %mul3A_168 = vector.broadcast %get3A_167 : vector<1x4096xf32> to vector<4x4096xf32>
    %mul3A_169 = arith.mulf %get3A_164, %mul3A_168 : vector<4x4096xf32>
    %swap3A_170 = arith.constant 60 : index
    %swap3A_171 = arith.constant 0 : index
    %swap3A_172 = vector.load %arg3[%swap3A_170, %swap3A_171] : memref<256x4096xf32, #tpu.memory_space<vmem>>, vector<4x4096xf32>
    tpu.vector_store %arg3[%swap3A_170, %swap3A_171], %mul3A_169 {strides = array<i32>} : memref<256x4096xf32, #tpu.memory_space<vmem>>, vector<4x4096xf32>,
    %get3A_173 = arith.constant 64 : index
    %get3A_174 = arith.constant 0 : index
    %get3A_175 = vector.load %arg1[%get3A_173, %get3A_174] : memref<256x4096xf32, #tpu.memory_space<vmem>>, vector<4x4096xf32>
    %get3A_176 = arith.constant 16 : index
    %get3A_177 = arith.constant 0 : index
    %get3A_178 = vector.load %arg2[%get3A_176, %get3A_177] : memref<64x4096xf32, #tpu.memory_space<vmem>>, vector<1x4096xf32>
    %mul3A_179 = vector.broadcast %get3A_178 : vector<1x4096xf32> to vector<4x4096xf32>
    %mul3A_180 = arith.mulf %get3A_175, %mul3A_179 : vector<4x4096xf32>
    %swap3A_181 = arith.constant 64 : index
    %swap3A_182 = arith.constant 0 : index
    %swap3A_183 = vector.load %arg3[%swap3A_181, %swap3A_182] : memref<256x4096xf32, #tpu.memory_space<vmem>>, vector<4x4096xf32>
    tpu.vector_store %arg3[%swap3A_181, %swap3A_182], %mul3A_180 {strides = array<i32>} : memref<256x4096xf32, #tpu.memory_space<vmem>>, vector<4x4096xf32>,
    %get3A_184 = arith.constant 68 : index
    %get3A_185 = arith.constant 0 : index
    %get3A_186 = vector.load %arg1[%get3A_184, %get3A_185] : memref<256x4096xf32, #tpu.memory_space<vmem>>, vector<4x4096xf32>
    %get3A_187 = arith.constant 17 : index
    %get3A_188 = arith.constant 0 : index
    %get3A_189 = vector.load %arg2[%get3A_187, %get3A_188] : memref<64x4096xf32, #tpu.memory_space<vmem>>, vector<1x4096xf32>
    %mul3A_190 = vector.broadcast %get3A_189 : vector<1x4096xf32> to vector<4x4096xf32>
    %mul3A_191 = arith.mulf %get3A_186, %mul3A_190 : vector<4x4096xf32>
    %swap3A_192 = arith.constant 68 : index
    %swap3A_193 = arith.constant 0 : index
    %swap3A_194 = vector.load %arg3[%swap3A_192, %swap3A_193] : memref<256x4096xf32, #tpu.memory_space<vmem>>, vector<4x4096xf32>
    tpu.vector_store %arg3[%swap3A_192, %swap3A_193], %mul3A_191 {strides = array<i32>} : memref<256x4096xf32, #tpu.memory_space<vmem>>, vector<4x4096xf32>,
    %get3A_195 = arith.constant 72 : index
    %get3A_196 = arith.constant 0 : index
    %get3A_197 = vector.load %arg1[%get3A_195, %get3A_196] : memref<256x4096xf32, #tpu.memory_space<vmem>>, vector<4x4096xf32>
    %get3A_198 = arith.constant 18 : index
    %get3A_199 = arith.constant 0 : index
    %get3A_200 = vector.load %arg2[%get3A_198, %get3A_199] : memref<64x4096xf32, #tpu.memory_space<vmem>>, vector<1x4096xf32>
    %mul3A_201 = vector.broadcast %get3A_200 : vector<1x4096xf32> to vector<4x4096xf32>
    %mul3A_202 = arith.mulf %get3A_197, %mul3A_201 : vector<4x4096xf32>
    %swap3A_203 = arith.constant 72 : index
    %swap3A_204 = arith.constant 0 : index
    %swap3A_205 = vector.load %arg3[%swap3A_203, %swap3A_204] : memref<256x4096xf32, #tpu.memory_space<vmem>>, vector<4x4096xf32>
    tpu.vector_store %arg3[%swap3A_203, %swap3A_204], %mul3A_202 {strides = array<i32>} : memref<256x4096xf32, #tpu.memory_space<vmem>>, vector<4x4096xf32>,
    %get3A_206 = arith.constant 76 : index
    %get3A_207 = arith.constant 0 : index
    %get3A_208 = vector.load %arg1[%get3A_206, %get3A_207] : memref<256x4096xf32, #tpu.memory_space<vmem>>, vector<4x4096xf32>
    %get3A_209 = arith.constant 19 : index
    %get3A_210 = arith.constant 0 : index
    %get3A_211 = vector.load %arg2[%get3A_209, %get3A_210] : memref<64x4096xf32, #tpu.memory_space<vmem>>, vector<1x4096xf32>
    %mul3A_212 = vector.broadcast %get3A_211 : vector<1x4096xf32> to vector<4x4096xf32>
    %mul3A_213 = arith.mulf %get3A_208, %mul3A_212 : vector<4x4096xf32>
    %swap3A_214 = arith.constant 76 : index
    %swap3A_215 = arith.constant 0 : index
    %swap3A_216 = vector.load %arg3[%swap3A_214, %swap3A_215] : memref<256x4096xf32, #tpu.memory_space<vmem>>, vector<4x4096xf32>
    tpu.vector_store %arg3[%swap3A_214, %swap3A_215], %mul3A_213 {strides = array<i32>} : memref<256x4096xf32, #tpu.memory_space<vmem>>, vector<4x4096xf32>,
    %get3A_217 = arith.constant 80 : index
    %get3A_218 = arith.constant 0 : index
    %get3A_219 = vector.load %arg1[%get3A_217, %get3A_218] : memref<256x4096xf32, #tpu.memory_space<vmem>>, vector<4x4096xf32>
    %get3A_220 = arith.constant 20 : index
    %get3A_221 = arith.constant 0 : index
    %get3A_222 = vector.load %arg2[%get3A_220, %get3A_221] : memref<64x4096xf32, #tpu.memory_space<vmem>>, vector<1x4096xf32>
    %mul3A_223 = vector.broadcast %get3A_222 : vector<1x4096xf32> to vector<4x4096xf32>
    %mul3A_224 = arith.mulf %get3A_219, %mul3A_223 : vector<4x4096xf32>
    %swap3A_225 = arith.constant 80 : index
    %swap3A_226 = arith.constant 0 : index
    %swap3A_227 = vector.load %arg3[%swap3A_225, %swap3A_226] : memref<256x4096xf32, #tpu.memory_space<vmem>>, vector<4x4096xf32>
    tpu.vector_store %arg3[%swap3A_225, %swap3A_226], %mul3A_224 {strides = array<i32>} : memref<256x4096xf32, #tpu.memory_space<vmem>>, vector<4x4096xf32>,
    %get3A_228 = arith.constant 84 : index
    %get3A_229 = arith.constant 0 : index
    %get3A_230 = vector.load %arg1[%get3A_228, %get3A_229] : memref<256x4096xf32, #tpu.memory_space<vmem>>, vector<4x4096xf32>
    %get3A_231 = arith.constant 21 : index
    %get3A_232 = arith.constant 0 : index
    %get3A_233 = vector.load %arg2[%get3A_231, %get3A_232] : memref<64x4096xf32, #tpu.memory_space<vmem>>, vector<1x4096xf32>
    %mul3A_234 = vector.broadcast %get3A_233 : vector<1x4096xf32> to vector<4x4096xf32>
    %mul3A_235 = arith.mulf %get3A_230, %mul3A_234 : vector<4x4096xf32>
    %swap3A_236 = arith.constant 84 : index
    %swap3A_237 = arith.constant 0 : index
    %swap3A_238 = vector.load %arg3[%swap3A_236, %swap3A_237] : memref<256x4096xf32, #tpu.memory_space<vmem>>, vector<4x4096xf32>
    tpu.vector_store %arg3[%swap3A_236, %swap3A_237], %mul3A_235 {strides = array<i32>} : memref<256x4096xf32, #tpu.memory_space<vmem>>, vector<4x4096xf32>,
    %get3A_239 = arith.constant 88 : index
    %get3A_240 = arith.constant 0 : index
    %get3A_241 = vector.load %arg1[%get3A_239, %get3A_240] : memref<256x4096xf32, #tpu.memory_space<vmem>>, vector<4x4096xf32>
    %get3A_242 = arith.constant 22 : index
    %get3A_243 = arith.constant 0 : index
    %get3A_244 = vector.load %arg2[%get3A_242, %get3A_243] : memref<64x4096xf32, #tpu.memory_space<vmem>>, vector<1x4096xf32>
    %mul3A_245 = vector.broadcast %get3A_244 : vector<1x4096xf32> to vector<4x4096xf32>
    %mul3A_246 = arith.mulf %get3A_241, %mul3A_245 : vector<4x4096xf32>
    %swap3A_247 = arith.constant 88 : index
    %swap3A_248 = arith.constant 0 : index
    %swap3A_249 = vector.load %arg3[%swap3A_247, %swap3A_248] : memref<256x4096xf32, #tpu.memory_space<vmem>>, vector<4x4096xf32>
    tpu.vector_store %arg3[%swap3A_247, %swap3A_248], %mul3A_246 {strides = array<i32>} : memref<256x4096xf32, #tpu.memory_space<vmem>>, vector<4x4096xf32>,
    %get3A_250 = arith.constant 92 : index
    %get3A_251 = arith.constant 0 : index
    %get3A_252 = vector.load %arg1[%get3A_250, %get3A_251] : memref<256x4096xf32, #tpu.memory_space<vmem>>, vector<4x4096xf32>
    %get3A_253 = arith.constant 23 : index
    %get3A_254 = arith.constant 0 : index
    %get3A_255 = vector.load %arg2[%get3A_253, %get3A_254] : memref<64x4096xf32, #tpu.memory_space<vmem>>, vector<1x4096xf32>
    %mul3A_256 = vector.broadcast %get3A_255 : vector<1x4096xf32> to vector<4x4096xf32>
    %mul3A_257 = arith.mulf %get3A_252, %mul3A_256 : vector<4x4096xf32>
    %swap3A_258 = arith.constant 92 : index
    %swap3A_259 = arith.constant 0 : index
    %swap3A_260 = vector.load %arg3[%swap3A_258, %swap3A_259] : memref<256x4096xf32, #tpu.memory_space<vmem>>, vector<4x4096xf32>
    tpu.vector_store %arg3[%swap3A_258, %swap3A_259], %mul3A_257 {strides = array<i32>} : memref<256x4096xf32, #tpu.memory_space<vmem>>, vector<4x4096xf32>,
    %get3A_261 = arith.constant 96 : index
    %get3A_262 = arith.constant 0 : index
    %get3A_263 = vector.load %arg1[%get3A_261, %get3A_262] : memref<256x4096xf32, #tpu.memory_space<vmem>>, vector<4x4096xf32>
    %get3A_264 = arith.constant 24 : index
    %get3A_265 = arith.constant 0 : index
    %get3A_266 = vector.load %arg2[%get3A_264, %get3A_265] : memref<64x4096xf32, #tpu.memory_space<vmem>>, vector<1x4096xf32>
    %mul3A_267 = vector.broadcast %get3A_266 : vector<1x4096xf32> to vector<4x4096xf32>
    %mul3A_268 = arith.mulf %get3A_263, %mul3A_267 : vector<4x4096xf32>
    %swap3A_269 = arith.constant 96 : index
    %swap3A_270 = arith.constant 0 : index
    %swap3A_271 = vector.load %arg3[%swap3A_269, %swap3A_270] : memref<256x4096xf32, #tpu.memory_space<vmem>>, vector<4x4096xf32>
    tpu.vector_store %arg3[%swap3A_269, %swap3A_270], %mul3A_268 {strides = array<i32>} : memref<256x4096xf32, #tpu.memory_space<vmem>>, vector<4x4096xf32>,
    %get3A_272 = arith.constant 100 : index
    %get3A_273 = arith.constant 0 : index
    %get3A_274 = vector.load %arg1[%get3A_272, %get3A_273] : memref<256x4096xf32, #tpu.memory_space<vmem>>, vector<4x4096xf32>
    %get3A_275 = arith.constant 25 : index
    %get3A_276 = arith.constant 0 : index
    %get3A_277 = vector.load %arg2[%get3A_275, %get3A_276] : memref<64x4096xf32, #tpu.memory_space<vmem>>, vector<1x4096xf32>
    %mul3A_278 = vector.broadcast %get3A_277 : vector<1x4096xf32> to vector<4x4096xf32>
    %mul3A_279 = arith.mulf %get3A_274, %mul3A_278 : vector<4x4096xf32>
    %swap3A_280 = arith.constant 100 : index
    %swap3A_281 = arith.constant 0 : index
    %swap3A_282 = vector.load %arg3[%swap3A_280, %swap3A_281] : memref<256x4096xf32, #tpu.memory_space<vmem>>, vector<4x4096xf32>
    tpu.vector_store %arg3[%swap3A_280, %swap3A_281], %mul3A_279 {strides = array<i32>} : memref<256x4096xf32, #tpu.memory_space<vmem>>, vector<4x4096xf32>,
    %get3A_283 = arith.constant 104 : index
    %get3A_284 = arith.constant 0 : index
    %get3A_285 = vector.load %arg1[%get3A_283, %get3A_284] : memref<256x4096xf32, #tpu.memory_space<vmem>>, vector<4x4096xf32>
    %get3A_286 = arith.constant 26 : index
    %get3A_287 = arith.constant 0 : index
    %get3A_288 = vector.load %arg2[%get3A_286, %get3A_287] : memref<64x4096xf32, #tpu.memory_space<vmem>>, vector<1x4096xf32>
    %mul3A_289 = vector.broadcast %get3A_288 : vector<1x4096xf32> to vector<4x4096xf32>
    %mul3A_290 = arith.mulf %get3A_285, %mul3A_289 : vector<4x4096xf32>
    %swap3A_291 = arith.constant 104 : index
    %swap3A_292 = arith.constant 0 : index
    %swap3A_293 = vector.load %arg3[%swap3A_291, %swap3A_292] : memref<256x4096xf32, #tpu.memory_space<vmem>>, vector<4x4096xf32>
    tpu.vector_store %arg3[%swap3A_291, %swap3A_292], %mul3A_290 {strides = array<i32>} : memref<256x4096xf32, #tpu.memory_space<vmem>>, vector<4x4096xf32>,
    %get3A_294 = arith.constant 108 : index
    %get3A_295 = arith.constant 0 : index
    %get3A_296 = vector.load %arg1[%get3A_294, %get3A_295] : memref<256x4096xf32, #tpu.memory_space<vmem>>, vector<4x4096xf32>
    %get3A_297 = arith.constant 27 : index
    %get3A_298 = arith.constant 0 : index
    %get3A_299 = vector.load %arg2[%get3A_297, %get3A_298] : memref<64x4096xf32, #tpu.memory_space<vmem>>, vector<1x4096xf32>
    %mul3A_300 = vector.broadcast %get3A_299 : vector<1x4096xf32> to vector<4x4096xf32>
    %mul3A_301 = arith.mulf %get3A_296, %mul3A_300 : vector<4x4096xf32>
    %swap3A_302 = arith.constant 108 : index
    %swap3A_303 = arith.constant 0 : index
    %swap3A_304 = vector.load %arg3[%swap3A_302, %swap3A_303] : memref<256x4096xf32, #tpu.memory_space<vmem>>, vector<4x4096xf32>
    tpu.vector_store %arg3[%swap3A_302, %swap3A_303], %mul3A_301 {strides = array<i32>} : memref<256x4096xf32, #tpu.memory_space<vmem>>, vector<4x4096xf32>,
    %get3A_305 = arith.constant 112 : index
    %get3A_306 = arith.constant 0 : index
    %get3A_307 = vector.load %arg1[%get3A_305, %get3A_306] : memref<256x4096xf32, #tpu.memory_space<vmem>>, vector<4x4096xf32>
    %get3A_308 = arith.constant 28 : index
    %get3A_309 = arith.constant 0 : index
    %get3A_310 = vector.load %arg2[%get3A_308, %get3A_309] : memref<64x4096xf32, #tpu.memory_space<vmem>>, vector<1x4096xf32>
    %mul3A_311 = vector.broadcast %get3A_310 : vector<1x4096xf32> to vector<4x4096xf32>
    %mul3A_312 = arith.mulf %get3A_307, %mul3A_311 : vector<4x4096xf32>
    %swap3A_313 = arith.constant 112 : index
    %swap3A_314 = arith.constant 0 : index
    %swap3A_315 = vector.load %arg3[%swap3A_313, %swap3A_314] : memref<256x4096xf32, #tpu.memory_space<vmem>>, vector<4x4096xf32>
    tpu.vector_store %arg3[%swap3A_313, %swap3A_314], %mul3A_312 {strides = array<i32>} : memref<256x4096xf32, #tpu.memory_space<vmem>>, vector<4x4096xf32>,
    %get3A_316 = arith.constant 116 : index
    %get3A_317 = arith.constant 0 : index
    %get3A_318 = vector.load %arg1[%get3A_316, %get3A_317] : memref<256x4096xf32, #tpu.memory_space<vmem>>, vector<4x4096xf32>
    %get3A_319 = arith.constant 29 : index
    %get3A_320 = arith.constant 0 : index
    %get3A_321 = vector.load %arg2[%get3A_319, %get3A_320] : memref<64x4096xf32, #tpu.memory_space<vmem>>, vector<1x4096xf32>
    %mul3A_322 = vector.broadcast %get3A_321 : vector<1x4096xf32> to vector<4x4096xf32>
    %mul3A_323 = arith.mulf %get3A_318, %mul3A_322 : vector<4x4096xf32>
    %swap3A_324 = arith.constant 116 : index
    %swap3A_325 = arith.constant 0 : index
    %swap3A_326 = vector.load %arg3[%swap3A_324, %swap3A_325] : memref<256x4096xf32, #tpu.memory_space<vmem>>, vector<4x4096xf32>
    tpu.vector_store %arg3[%swap3A_324, %swap3A_325], %mul3A_323 {strides = array<i32>} : memref<256x4096xf32, #tpu.memory_space<vmem>>, vector<4x4096xf32>,
    %get3A_327 = arith.constant 120 : index
    %get3A_328 = arith.constant 0 : index
    %get3A_329 = vector.load %arg1[%get3A_327, %get3A_328] : memref<256x4096xf32, #tpu.memory_space<vmem>>, vector<4x4096xf32>
    %get3A_330 = arith.constant 30 : index
    %get3A_331 = arith.constant 0 : index
    %get3A_332 = vector.load %arg2[%get3A_330, %get3A_331] : memref<64x4096xf32, #tpu.memory_space<vmem>>, vector<1x4096xf32>
    %mul3A_333 = vector.broadcast %get3A_332 : vector<1x4096xf32> to vector<4x4096xf32>
    %mul3A_334 = arith.mulf %get3A_329, %mul3A_333 : vector<4x4096xf32>
    %swap3A_335 = arith.constant 120 : index
    %swap3A_336 = arith.constant 0 : index
    %swap3A_337 = vector.load %arg3[%swap3A_335, %swap3A_336] : memref<256x4096xf32, #tpu.memory_space<vmem>>, vector<4x4096xf32>
    tpu.vector_store %arg3[%swap3A_335, %swap3A_336], %mul3A_334 {strides = array<i32>} : memref<256x4096xf32, #tpu.memory_space<vmem>>, vector<4x4096xf32>,
    %get3A_338 = arith.constant 124 : index
    %get3A_339 = arith.constant 0 : index
    %get3A_340 = vector.load %arg1[%get3A_338, %get3A_339] : memref<256x4096xf32, #tpu.memory_space<vmem>>, vector<4x4096xf32>
    %get3A_341 = arith.constant 31 : index
    %get3A_342 = arith.constant 0 : index
    %get3A_343 = vector.load %arg2[%get3A_341, %get3A_342] : memref<64x4096xf32, #tpu.memory_space<vmem>>, vector<1x4096xf32>
    %mul3A_344 = vector.broadcast %get3A_343 : vector<1x4096xf32> to vector<4x4096xf32>
    %mul3A_345 = arith.mulf %get3A_340, %mul3A_344 : vector<4x4096xf32>
    %swap3A_346 = arith.constant 124 : index
    %swap3A_347 = arith.constant 0 : index
    %swap3A_348 = vector.load %arg3[%swap3A_346, %swap3A_347] : memref<256x4096xf32, #tpu.memory_space<vmem>>, vector<4x4096xf32>
    tpu.vector_store %arg3[%swap3A_346, %swap3A_347], %mul3A_345 {strides = array<i32>} : memref<256x4096xf32, #tpu.memory_space<vmem>>, vector<4x4096xf32>,
    %get3A_349 = arith.constant 128 : index
    %get3A_350 = arith.constant 0 : index
    %get3A_351 = vector.load %arg1[%get3A_349, %get3A_350] : memref<256x4096xf32, #tpu.memory_space<vmem>>, vector<4x4096xf32>
    %get3A_352 = arith.constant 32 : index
    %get3A_353 = arith.constant 0 : index
    %get3A_354 = vector.load %arg2[%get3A_352, %get3A_353] : memref<64x4096xf32, #tpu.memory_space<vmem>>, vector<1x4096xf32>
    %mul3A_355 = vector.broadcast %get3A_354 : vector<1x4096xf32> to vector<4x4096xf32>
    %mul3A_356 = arith.mulf %get3A_351, %mul3A_355 : vector<4x4096xf32>
    %swap3A_357 = arith.constant 128 : index
    %swap3A_358 = arith.constant 0 : index
    %swap3A_359 = vector.load %arg3[%swap3A_357, %swap3A_358] : memref<256x4096xf32, #tpu.memory_space<vmem>>, vector<4x4096xf32>
    tpu.vector_store %arg3[%swap3A_357, %swap3A_358], %mul3A_356 {strides = array<i32>} : memref<256x4096xf32, #tpu.memory_space<vmem>>, vector<4x4096xf32>,
    %get3A_360 = arith.constant 132 : index
    %get3A_361 = arith.constant 0 : index
    %get3A_362 = vector.load %arg1[%get3A_360, %get3A_361] : memref<256x4096xf32, #tpu.memory_space<vmem>>, vector<4x4096xf32>
    %get3A_363 = arith.constant 33 : index
    %get3A_364 = arith.constant 0 : index
    %get3A_365 = vector.load %arg2[%get3A_363, %get3A_364] : memref<64x4096xf32, #tpu.memory_space<vmem>>, vector<1x4096xf32>
    %mul3A_366 = vector.broadcast %get3A_365 : vector<1x4096xf32> to vector<4x4096xf32>
    %mul3A_367 = arith.mulf %get3A_362, %mul3A_366 : vector<4x4096xf32>
    %swap3A_368 = arith.constant 132 : index
    %swap3A_369 = arith.constant 0 : index
    %swap3A_370 = vector.load %arg3[%swap3A_368, %swap3A_369] : memref<256x4096xf32, #tpu.memory_space<vmem>>, vector<4x4096xf32>
    tpu.vector_store %arg3[%swap3A_368, %swap3A_369], %mul3A_367 {strides = array<i32>} : memref<256x4096xf32, #tpu.memory_space<vmem>>, vector<4x4096xf32>,
    %get3A_371 = arith.constant 136 : index
    %get3A_372 = arith.constant 0 : index
    %get3A_373 = vector.load %arg1[%get3A_371, %get3A_372] : memref<256x4096xf32, #tpu.memory_space<vmem>>, vector<4x4096xf32>
    %get3A_374 = arith.constant 34 : index
    %get3A_375 = arith.constant 0 : index
    %get3A_376 = vector.load %arg2[%get3A_374, %get3A_375] : memref<64x4096xf32, #tpu.memory_space<vmem>>, vector<1x4096xf32>
    %mul3A_377 = vector.broadcast %get3A_376 : vector<1x4096xf32> to vector<4x4096xf32>
    %mul3A_378 = arith.mulf %get3A_373, %mul3A_377 : vector<4x4096xf32>
    %swap3A_379 = arith.constant 136 : index
    %swap3A_380 = arith.constant 0 : index
    %swap3A_381 = vector.load %arg3[%swap3A_379, %swap3A_380] : memref<256x4096xf32, #tpu.memory_space<vmem>>, vector<4x4096xf32>
    tpu.vector_store %arg3[%swap3A_379, %swap3A_380], %mul3A_378 {strides = array<i32>} : memref<256x4096xf32, #tpu.memory_space<vmem>>, vector<4x4096xf32>,
    %get3A_382 = arith.constant 140 : index
    %get3A_383 = arith.constant 0 : index
    %get3A_384 = vector.load %arg1[%get3A_382, %get3A_383] : memref<256x4096xf32, #tpu.memory_space<vmem>>, vector<4x4096xf32>
    %get3A_385 = arith.constant 35 : index
    %get3A_386 = arith.constant 0 : index
    %get3A_387 = vector.load %arg2[%get3A_385, %get3A_386] : memref<64x4096xf32, #tpu.memory_space<vmem>>, vector<1x4096xf32>
    %mul3A_388 = vector.broadcast %get3A_387 : vector<1x4096xf32> to vector<4x4096xf32>
    %mul3A_389 = arith.mulf %get3A_384, %mul3A_388 : vector<4x4096xf32>
    %swap3A_390 = arith.constant 140 : index
    %swap3A_391 = arith.constant 0 : index
    %swap3A_392 = vector.load %arg3[%swap3A_390, %swap3A_391] : memref<256x4096xf32, #tpu.memory_space<vmem>>, vector<4x4096xf32>
    tpu.vector_store %arg3[%swap3A_390, %swap3A_391], %mul3A_389 {strides = array<i32>} : memref<256x4096xf32, #tpu.memory_space<vmem>>, vector<4x4096xf32>,
    %get3A_393 = arith.constant 144 : index
    %get3A_394 = arith.constant 0 : index
    %get3A_395 = vector.load %arg1[%get3A_393, %get3A_394] : memref<256x4096xf32, #tpu.memory_space<vmem>>, vector<4x4096xf32>
    %get3A_396 = arith.constant 36 : index
    %get3A_397 = arith.constant 0 : index
    %get3A_398 = vector.load %arg2[%get3A_396, %get3A_397] : memref<64x4096xf32, #tpu.memory_space<vmem>>, vector<1x4096xf32>
    %mul3A_399 = vector.broadcast %get3A_398 : vector<1x4096xf32> to vector<4x4096xf32>
    %mul3A_400 = arith.mulf %get3A_395, %mul3A_399 : vector<4x4096xf32>
    %swap3A_401 = arith.constant 144 : index
    %swap3A_402 = arith.constant 0 : index
    %swap3A_403 = vector.load %arg3[%swap3A_401, %swap3A_402] : memref<256x4096xf32, #tpu.memory_space<vmem>>, vector<4x4096xf32>
    tpu.vector_store %arg3[%swap3A_401, %swap3A_402], %mul3A_400 {strides = array<i32>} : memref<256x4096xf32, #tpu.memory_space<vmem>>, vector<4x4096xf32>,
    %get3A_404 = arith.constant 148 : index
    %get3A_405 = arith.constant 0 : index
    %get3A_406 = vector.load %arg1[%get3A_404, %get3A_405] : memref<256x4096xf32, #tpu.memory_space<vmem>>, vector<4x4096xf32>
    %get3A_407 = arith.constant 37 : index
    %get3A_408 = arith.constant 0 : index
    %get3A_409 = vector.load %arg2[%get3A_407, %get3A_408] : memref<64x4096xf32, #tpu.memory_space<vmem>>, vector<1x4096xf32>
    %mul3A_410 = vector.broadcast %get3A_409 : vector<1x4096xf32> to vector<4x4096xf32>
    %mul3A_411 = arith.mulf %get3A_406, %mul3A_410 : vector<4x4096xf32>
    %swap3A_412 = arith.constant 148 : index
    %swap3A_413 = arith.constant 0 : index
    %swap3A_414 = vector.load %arg3[%swap3A_412, %swap3A_413] : memref<256x4096xf32, #tpu.memory_space<vmem>>, vector<4x4096xf32>
    tpu.vector_store %arg3[%swap3A_412, %swap3A_413], %mul3A_411 {strides = array<i32>} : memref<256x4096xf32, #tpu.memory_space<vmem>>, vector<4x4096xf32>,
    %get3A_415 = arith.constant 152 : index
    %get3A_416 = arith.constant 0 : index
    %get3A_417 = vector.load %arg1[%get3A_415, %get3A_416] : memref<256x4096xf32, #tpu.memory_space<vmem>>, vector<4x4096xf32>
    %get3A_418 = arith.constant 38 : index
    %get3A_419 = arith.constant 0 : index
    %get3A_420 = vector.load %arg2[%get3A_418, %get3A_419] : memref<64x4096xf32, #tpu.memory_space<vmem>>, vector<1x4096xf32>
    %mul3A_421 = vector.broadcast %get3A_420 : vector<1x4096xf32> to vector<4x4096xf32>
    %mul3A_422 = arith.mulf %get3A_417, %mul3A_421 : vector<4x4096xf32>
    %swap3A_423 = arith.constant 152 : index
    %swap3A_424 = arith.constant 0 : index
    %swap3A_425 = vector.load %arg3[%swap3A_423, %swap3A_424] : memref<256x4096xf32, #tpu.memory_space<vmem>>, vector<4x4096xf32>
    tpu.vector_store %arg3[%swap3A_423, %swap3A_424], %mul3A_422 {strides = array<i32>} : memref<256x4096xf32, #tpu.memory_space<vmem>>, vector<4x4096xf32>,
    %get3A_426 = arith.constant 156 : index
    %get3A_427 = arith.constant 0 : index
    %get3A_428 = vector.load %arg1[%get3A_426, %get3A_427] : memref<256x4096xf32, #tpu.memory_space<vmem>>, vector<4x4096xf32>
    %get3A_429 = arith.constant 39 : index
    %get3A_430 = arith.constant 0 : index
    %get3A_431 = vector.load %arg2[%get3A_429, %get3A_430] : memref<64x4096xf32, #tpu.memory_space<vmem>>, vector<1x4096xf32>
    %mul3A_432 = vector.broadcast %get3A_431 : vector<1x4096xf32> to vector<4x4096xf32>
    %mul3A_433 = arith.mulf %get3A_428, %mul3A_432 : vector<4x4096xf32>
    %swap3A_434 = arith.constant 156 : index
    %swap3A_435 = arith.constant 0 : index
    %swap3A_436 = vector.load %arg3[%swap3A_434, %swap3A_435] : memref<256x4096xf32, #tpu.memory_space<vmem>>, vector<4x4096xf32>
    tpu.vector_store %arg3[%swap3A_434, %swap3A_435], %mul3A_433 {strides = array<i32>} : memref<256x4096xf32, #tpu.memory_space<vmem>>, vector<4x4096xf32>,
    %get3A_437 = arith.constant 160 : index
    %get3A_438 = arith.constant 0 : index
    %get3A_439 = vector.load %arg1[%get3A_437, %get3A_438] : memref<256x4096xf32, #tpu.memory_space<vmem>>, vector<4x4096xf32>
    %get3A_440 = arith.constant 40 : index
    %get3A_441 = arith.constant 0 : index
    %get3A_442 = vector.load %arg2[%get3A_440, %get3A_441] : memref<64x4096xf32, #tpu.memory_space<vmem>>, vector<1x4096xf32>
    %mul3A_443 = vector.broadcast %get3A_442 : vector<1x4096xf32> to vector<4x4096xf32>
    %mul3A_444 = arith.mulf %get3A_439, %mul3A_443 : vector<4x4096xf32>
    %swap3A_445 = arith.constant 160 : index
    %swap3A_446 = arith.constant 0 : index
    %swap3A_447 = vector.load %arg3[%swap3A_445, %swap3A_446] : memref<256x4096xf32, #tpu.memory_space<vmem>>, vector<4x4096xf32>
    tpu.vector_store %arg3[%swap3A_445, %swap3A_446], %mul3A_444 {strides = array<i32>} : memref<256x4096xf32, #tpu.memory_space<vmem>>, vector<4x4096xf32>,
    %get3A_448 = arith.constant 164 : index
    %get3A_449 = arith.constant 0 : index
    %get3A_450 = vector.load %arg1[%get3A_448, %get3A_449] : memref<256x4096xf32, #tpu.memory_space<vmem>>, vector<4x4096xf32>
    %get3A_451 = arith.constant 41 : index
    %get3A_452 = arith.constant 0 : index
    %get3A_453 = vector.load %arg2[%get3A_451, %get3A_452] : memref<64x4096xf32, #tpu.memory_space<vmem>>, vector<1x4096xf32>
    %mul3A_454 = vector.broadcast %get3A_453 : vector<1x4096xf32> to vector<4x4096xf32>
    %mul3A_455 = arith.mulf %get3A_450, %mul3A_454 : vector<4x4096xf32>
    %swap3A_456 = arith.constant 164 : index
    %swap3A_457 = arith.constant 0 : index
    %swap3A_458 = vector.load %arg3[%swap3A_456, %swap3A_457] : memref<256x4096xf32, #tpu.memory_space<vmem>>, vector<4x4096xf32>
    tpu.vector_store %arg3[%swap3A_456, %swap3A_457], %mul3A_455 {strides = array<i32>} : memref<256x4096xf32, #tpu.memory_space<vmem>>, vector<4x4096xf32>,
    %get3A_459 = arith.constant 168 : index
    %get3A_460 = arith.constant 0 : index
    %get3A_461 = vector.load %arg1[%get3A_459, %get3A_460] : memref<256x4096xf32, #tpu.memory_space<vmem>>, vector<4x4096xf32>
    %get3A_462 = arith.constant 42 : index
    %get3A_463 = arith.constant 0 : index
    %get3A_464 = vector.load %arg2[%get3A_462, %get3A_463] : memref<64x4096xf32, #tpu.memory_space<vmem>>, vector<1x4096xf32>
    %mul3A_465 = vector.broadcast %get3A_464 : vector<1x4096xf32> to vector<4x4096xf32>
    %mul3A_466 = arith.mulf %get3A_461, %mul3A_465 : vector<4x4096xf32>
    %swap3A_467 = arith.constant 168 : index
    %swap3A_468 = arith.constant 0 : index
    %swap3A_469 = vector.load %arg3[%swap3A_467, %swap3A_468] : memref<256x4096xf32, #tpu.memory_space<vmem>>, vector<4x4096xf32>
    tpu.vector_store %arg3[%swap3A_467, %swap3A_468], %mul3A_466 {strides = array<i32>} : memref<256x4096xf32, #tpu.memory_space<vmem>>, vector<4x4096xf32>,
    %get3A_470 = arith.constant 172 : index
    %get3A_471 = arith.constant 0 : index
    %get3A_472 = vector.load %arg1[%get3A_470, %get3A_471] : memref<256x4096xf32, #tpu.memory_space<vmem>>, vector<4x4096xf32>
    %get3A_473 = arith.constant 43 : index
    %get3A_474 = arith.constant 0 : index
    %get3A_475 = vector.load %arg2[%get3A_473, %get3A_474] : memref<64x4096xf32, #tpu.memory_space<vmem>>, vector<1x4096xf32>
    %mul3A_476 = vector.broadcast %get3A_475 : vector<1x4096xf32> to vector<4x4096xf32>
    %mul3A_477 = arith.mulf %get3A_472, %mul3A_476 : vector<4x4096xf32>
    %swap3A_478 = arith.constant 172 : index
    %swap3A_479 = arith.constant 0 : index
    %swap3A_480 = vector.load %arg3[%swap3A_478, %swap3A_479] : memref<256x4096xf32, #tpu.memory_space<vmem>>, vector<4x4096xf32>
    tpu.vector_store %arg3[%swap3A_478, %swap3A_479], %mul3A_477 {strides = array<i32>} : memref<256x4096xf32, #tpu.memory_space<vmem>>, vector<4x4096xf32>,
    %get3A_481 = arith.constant 176 : index
    %get3A_482 = arith.constant 0 : index
    %get3A_483 = vector.load %arg1[%get3A_481, %get3A_482] : memref<256x4096xf32, #tpu.memory_space<vmem>>, vector<4x4096xf32>
    %get3A_484 = arith.constant 44 : index
    %get3A_485 = arith.constant 0 : index
    %get3A_486 = vector.load %arg2[%get3A_484, %get3A_485] : memref<64x4096xf32, #tpu.memory_space<vmem>>, vector<1x4096xf32>
    %mul3A_487 = vector.broadcast %get3A_486 : vector<1x4096xf32> to vector<4x4096xf32>
    %mul3A_488 = arith.mulf %get3A_483, %mul3A_487 : vector<4x4096xf32>
    %swap3A_489 = arith.constant 176 : index
    %swap3A_490 = arith.constant 0 : index
    %swap3A_491 = vector.load %arg3[%swap3A_489, %swap3A_490] : memref<256x4096xf32, #tpu.memory_space<vmem>>, vector<4x4096xf32>
    tpu.vector_store %arg3[%swap3A_489, %swap3A_490], %mul3A_488 {strides = array<i32>} : memref<256x4096xf32, #tpu.memory_space<vmem>>, vector<4x4096xf32>,
    %get3A_492 = arith.constant 180 : index
    %get3A_493 = arith.constant 0 : index
    %get3A_494 = vector.load %arg1[%get3A_492, %get3A_493] : memref<256x4096xf32, #tpu.memory_space<vmem>>, vector<4x4096xf32>
    %get3A_495 = arith.constant 45 : index
    %get3A_496 = arith.constant 0 : index
    %get3A_497 = vector.load %arg2[%get3A_495, %get3A_496] : memref<64x4096xf32, #tpu.memory_space<vmem>>, vector<1x4096xf32>
    %mul3A_498 = vector.broadcast %get3A_497 : vector<1x4096xf32> to vector<4x4096xf32>
    %mul3A_499 = arith.mulf %get3A_494, %mul3A_498 : vector<4x4096xf32>
    %swap3A_500 = arith.constant 180 : index
    %swap3A_501 = arith.constant 0 : index
    %swap3A_502 = vector.load %arg3[%swap3A_500, %swap3A_501] : memref<256x4096xf32, #tpu.memory_space<vmem>>, vector<4x4096xf32>
    tpu.vector_store %arg3[%swap3A_500, %swap3A_501], %mul3A_499 {strides = array<i32>} : memref<256x4096xf32, #tpu.memory_space<vmem>>, vector<4x4096xf32>,
    %get3A_503 = arith.constant 184 : index
    %get3A_504 = arith.constant 0 : index
    %get3A_505 = vector.load %arg1[%get3A_503, %get3A_504] : memref<256x4096xf32, #tpu.memory_space<vmem>>, vector<4x4096xf32>
    %get3A_506 = arith.constant 46 : index
    %get3A_507 = arith.constant 0 : index
    %get3A_508 = vector.load %arg2[%get3A_506, %get3A_507] : memref<64x4096xf32, #tpu.memory_space<vmem>>, vector<1x4096xf32>
    %mul3A_509 = vector.broadcast %get3A_508 : vector<1x4096xf32> to vector<4x4096xf32>
    %mul3A_510 = arith.mulf %get3A_505, %mul3A_509 : vector<4x4096xf32>
    %swap3A_511 = arith.constant 184 : index
    %swap3A_512 = arith.constant 0 : index
    %swap3A_513 = vector.load %arg3[%swap3A_511, %swap3A_512] : memref<256x4096xf32, #tpu.memory_space<vmem>>, vector<4x4096xf32>
    tpu.vector_store %arg3[%swap3A_511, %swap3A_512], %mul3A_510 {strides = array<i32>} : memref<256x4096xf32, #tpu.memory_space<vmem>>, vector<4x4096xf32>,
    %get3A_514 = arith.constant 188 : index
    %get3A_515 = arith.constant 0 : index
    %get3A_516 = vector.load %arg1[%get3A_514, %get3A_515] : memref<256x4096xf32, #tpu.memory_space<vmem>>, vector<4x4096xf32>
    %get3A_517 = arith.constant 47 : index
    %get3A_518 = arith.constant 0 : index
    %get3A_519 = vector.load %arg2[%get3A_517, %get3A_518] : memref<64x4096xf32, #tpu.memory_space<vmem>>, vector<1x4096xf32>
    %mul3A_520 = vector.broadcast %get3A_519 : vector<1x4096xf32> to vector<4x4096xf32>
    %mul3A_521 = arith.mulf %get3A_516, %mul3A_520 : vector<4x4096xf32>
    %swap3A_522 = arith.constant 188 : index
    %swap3A_523 = arith.constant 0 : index
    %swap3A_524 = vector.load %arg3[%swap3A_522, %swap3A_523] : memref<256x4096xf32, #tpu.memory_space<vmem>>, vector<4x4096xf32>
    tpu.vector_store %arg3[%swap3A_522, %swap3A_523], %mul3A_521 {strides = array<i32>} : memref<256x4096xf32, #tpu.memory_space<vmem>>, vector<4x4096xf32>,
    %get3A_525 = arith.constant 192 : index
    %get3A_526 = arith.constant 0 : index
    %get3A_527 = vector.load %arg1[%get3A_525, %get3A_526] : memref<256x4096xf32, #tpu.memory_space<vmem>>, vector<4x4096xf32>
    %get3A_528 = arith.constant 48 : index
    %get3A_529 = arith.constant 0 : index
    %get3A_530 = vector.load %arg2[%get3A_528, %get3A_529] : memref<64x4096xf32, #tpu.memory_space<vmem>>, vector<1x4096xf32>
    %mul3A_531 = vector.broadcast %get3A_530 : vector<1x4096xf32> to vector<4x4096xf32>
    %mul3A_532 = arith.mulf %get3A_527, %mul3A_531 : vector<4x4096xf32>
    %swap3A_533 = arith.constant 192 : index
    %swap3A_534 = arith.constant 0 : index
    %swap3A_535 = vector.load %arg3[%swap3A_533, %swap3A_534] : memref<256x4096xf32, #tpu.memory_space<vmem>>, vector<4x4096xf32>
    tpu.vector_store %arg3[%swap3A_533, %swap3A_534], %mul3A_532 {strides = array<i32>} : memref<256x4096xf32, #tpu.memory_space<vmem>>, vector<4x4096xf32>,
    %get3A_536 = arith.constant 196 : index
    %get3A_537 = arith.constant 0 : index
    %get3A_538 = vector.load %arg1[%get3A_536, %get3A_537] : memref<256x4096xf32, #tpu.memory_space<vmem>>, vector<4x4096xf32>
    %get3A_539 = arith.constant 49 : index
    %get3A_540 = arith.constant 0 : index
    %get3A_541 = vector.load %arg2[%get3A_539, %get3A_540] : memref<64x4096xf32, #tpu.memory_space<vmem>>, vector<1x4096xf32>
    %mul3A_542 = vector.broadcast %get3A_541 : vector<1x4096xf32> to vector<4x4096xf32>
    %mul3A_543 = arith.mulf %get3A_538, %mul3A_542 : vector<4x4096xf32>
    %swap3A_544 = arith.constant 196 : index
    %swap3A_545 = arith.constant 0 : index
    %swap3A_546 = vector.load %arg3[%swap3A_544, %swap3A_545] : memref<256x4096xf32, #tpu.memory_space<vmem>>, vector<4x4096xf32>
    tpu.vector_store %arg3[%swap3A_544, %swap3A_545], %mul3A_543 {strides = array<i32>} : memref<256x4096xf32, #tpu.memory_space<vmem>>, vector<4x4096xf32>,
    %get3A_547 = arith.constant 200 : index
    %get3A_548 = arith.constant 0 : index
    %get3A_549 = vector.load %arg1[%get3A_547, %get3A_548] : memref<256x4096xf32, #tpu.memory_space<vmem>>, vector<4x4096xf32>
    %get3A_550 = arith.constant 50 : index
    %get3A_551 = arith.constant 0 : index
    %get3A_552 = vector.load %arg2[%get3A_550, %get3A_551] : memref<64x4096xf32, #tpu.memory_space<vmem>>, vector<1x4096xf32>
    %mul3A_553 = vector.broadcast %get3A_552 : vector<1x4096xf32> to vector<4x4096xf32>
    %mul3A_554 = arith.mulf %get3A_549, %mul3A_553 : vector<4x4096xf32>
    %swap3A_555 = arith.constant 200 : index
    %swap3A_556 = arith.constant 0 : index
    %swap3A_557 = vector.load %arg3[%swap3A_555, %swap3A_556] : memref<256x4096xf32, #tpu.memory_space<vmem>>, vector<4x4096xf32>
    tpu.vector_store %arg3[%swap3A_555, %swap3A_556], %mul3A_554 {strides = array<i32>} : memref<256x4096xf32, #tpu.memory_space<vmem>>, vector<4x4096xf32>,
    %get3A_558 = arith.constant 204 : index
    %get3A_559 = arith.constant 0 : index
    %get3A_560 = vector.load %arg1[%get3A_558, %get3A_559] : memref<256x4096xf32, #tpu.memory_space<vmem>>, vector<4x4096xf32>
    %get3A_561 = arith.constant 51 : index
    %get3A_562 = arith.constant 0 : index
    %get3A_563 = vector.load %arg2[%get3A_561, %get3A_562] : memref<64x4096xf32, #tpu.memory_space<vmem>>, vector<1x4096xf32>
    %mul3A_564 = vector.broadcast %get3A_563 : vector<1x4096xf32> to vector<4x4096xf32>
    %mul3A_565 = arith.mulf %get3A_560, %mul3A_564 : vector<4x4096xf32>
    %swap3A_566 = arith.constant 204 : index
    %swap3A_567 = arith.constant 0 : index
    %swap3A_568 = vector.load %arg3[%swap3A_566, %swap3A_567] : memref<256x4096xf32, #tpu.memory_space<vmem>>, vector<4x4096xf32>
    tpu.vector_store %arg3[%swap3A_566, %swap3A_567], %mul3A_565 {strides = array<i32>} : memref<256x4096xf32, #tpu.memory_space<vmem>>, vector<4x4096xf32>,
    %get3A_569 = arith.constant 208 : index
    %get3A_570 = arith.constant 0 : index
    %get3A_571 = vector.load %arg1[%get3A_569, %get3A_570] : memref<256x4096xf32, #tpu.memory_space<vmem>>, vector<4x4096xf32>
    %get3A_572 = arith.constant 52 : index
    %get3A_573 = arith.constant 0 : index
    %get3A_574 = vector.load %arg2[%get3A_572, %get3A_573] : memref<64x4096xf32, #tpu.memory_space<vmem>>, vector<1x4096xf32>
    %mul3A_575 = vector.broadcast %get3A_574 : vector<1x4096xf32> to vector<4x4096xf32>
    %mul3A_576 = arith.mulf %get3A_571, %mul3A_575 : vector<4x4096xf32>
    %swap3A_577 = arith.constant 208 : index
    %swap3A_578 = arith.constant 0 : index
    %swap3A_579 = vector.load %arg3[%swap3A_577, %swap3A_578] : memref<256x4096xf32, #tpu.memory_space<vmem>>, vector<4x4096xf32>
    tpu.vector_store %arg3[%swap3A_577, %swap3A_578], %mul3A_576 {strides = array<i32>} : memref<256x4096xf32, #tpu.memory_space<vmem>>, vector<4x4096xf32>,
    %get3A_580 = arith.constant 212 : index
    %get3A_581 = arith.constant 0 : index
    %get3A_582 = vector.load %arg1[%get3A_580, %get3A_581] : memref<256x4096xf32, #tpu.memory_space<vmem>>, vector<4x4096xf32>
    %get3A_583 = arith.constant 53 : index
    %get3A_584 = arith.constant 0 : index
    %get3A_585 = vector.load %arg2[%get3A_583, %get3A_584] : memref<64x4096xf32, #tpu.memory_space<vmem>>, vector<1x4096xf32>
    %mul3A_586 = vector.broadcast %get3A_585 : vector<1x4096xf32> to vector<4x4096xf32>
    %mul3A_587 = arith.mulf %get3A_582, %mul3A_586 : vector<4x4096xf32>
    %swap3A_588 = arith.constant 212 : index
    %swap3A_589 = arith.constant 0 : index
    %swap3A_590 = vector.load %arg3[%swap3A_588, %swap3A_589] : memref<256x4096xf32, #tpu.memory_space<vmem>>, vector<4x4096xf32>
    tpu.vector_store %arg3[%swap3A_588, %swap3A_589], %mul3A_587 {strides = array<i32>} : memref<256x4096xf32, #tpu.memory_space<vmem>>, vector<4x4096xf32>,
    %get3A_591 = arith.constant 216 : index
    %get3A_592 = arith.constant 0 : index
    %get3A_593 = vector.load %arg1[%get3A_591, %get3A_592] : memref<256x4096xf32, #tpu.memory_space<vmem>>, vector<4x4096xf32>
    %get3A_594 = arith.constant 54 : index
    %get3A_595 = arith.constant 0 : index
    %get3A_596 = vector.load %arg2[%get3A_594, %get3A_595] : memref<64x4096xf32, #tpu.memory_space<vmem>>, vector<1x4096xf32>
    %mul3A_597 = vector.broadcast %get3A_596 : vector<1x4096xf32> to vector<4x4096xf32>
    %mul3A_598 = arith.mulf %get3A_593, %mul3A_597 : vector<4x4096xf32>
    %swap3A_599 = arith.constant 216 : index
    %swap3A_600 = arith.constant 0 : index
    %swap3A_601 = vector.load %arg3[%swap3A_599, %swap3A_600] : memref<256x4096xf32, #tpu.memory_space<vmem>>, vector<4x4096xf32>
    tpu.vector_store %arg3[%swap3A_599, %swap3A_600], %mul3A_598 {strides = array<i32>} : memref<256x4096xf32, #tpu.memory_space<vmem>>, vector<4x4096xf32>,
    %get3A_602 = arith.constant 220 : index
    %get3A_603 = arith.constant 0 : index
    %get3A_604 = vector.load %arg1[%get3A_602, %get3A_603] : memref<256x4096xf32, #tpu.memory_space<vmem>>, vector<4x4096xf32>
    %get3A_605 = arith.constant 55 : index
    %get3A_606 = arith.constant 0 : index
    %get3A_607 = vector.load %arg2[%get3A_605, %get3A_606] : memref<64x4096xf32, #tpu.memory_space<vmem>>, vector<1x4096xf32>
    %mul3A_608 = vector.broadcast %get3A_607 : vector<1x4096xf32> to vector<4x4096xf32>
    %mul3A_609 = arith.mulf %get3A_604, %mul3A_608 : vector<4x4096xf32>
    %swap3A_610 = arith.constant 220 : index
    %swap3A_611 = arith.constant 0 : index
    %swap3A_612 = vector.load %arg3[%swap3A_610, %swap3A_611] : memref<256x4096xf32, #tpu.memory_space<vmem>>, vector<4x4096xf32>
    tpu.vector_store %arg3[%swap3A_610, %swap3A_611], %mul3A_609 {strides = array<i32>} : memref<256x4096xf32, #tpu.memory_space<vmem>>, vector<4x4096xf32>,
    %get3A_613 = arith.constant 224 : index
    %get3A_614 = arith.constant 0 : index
    %get3A_615 = vector.load %arg1[%get3A_613, %get3A_614] : memref<256x4096xf32, #tpu.memory_space<vmem>>, vector<4x4096xf32>
    %get3A_616 = arith.constant 56 : index
    %get3A_617 = arith.constant 0 : index
    %get3A_618 = vector.load %arg2[%get3A_616, %get3A_617] : memref<64x4096xf32, #tpu.memory_space<vmem>>, vector<1x4096xf32>
    %mul3A_619 = vector.broadcast %get3A_618 : vector<1x4096xf32> to vector<4x4096xf32>
    %mul3A_620 = arith.mulf %get3A_615, %mul3A_619 : vector<4x4096xf32>
    %swap3A_621 = arith.constant 224 : index
    %swap3A_622 = arith.constant 0 : index
    %swap3A_623 = vector.load %arg3[%swap3A_621, %swap3A_622] : memref<256x4096xf32, #tpu.memory_space<vmem>>, vector<4x4096xf32>
    tpu.vector_store %arg3[%swap3A_621, %swap3A_622], %mul3A_620 {strides = array<i32>} : memref<256x4096xf32, #tpu.memory_space<vmem>>, vector<4x4096xf32>,
    %get3A_624 = arith.constant 228 : index
    %get3A_625 = arith.constant 0 : index
    %get3A_626 = vector.load %arg1[%get3A_624, %get3A_625] : memref<256x4096xf32, #tpu.memory_space<vmem>>, vector<4x4096xf32>
    %get3A_627 = arith.constant 57 : index
    %get3A_628 = arith.constant 0 : index
    %get3A_629 = vector.load %arg2[%get3A_627, %get3A_628] : memref<64x4096xf32, #tpu.memory_space<vmem>>, vector<1x4096xf32>
    %mul3A_630 = vector.broadcast %get3A_629 : vector<1x4096xf32> to vector<4x4096xf32>
    %mul3A_631 = arith.mulf %get3A_626, %mul3A_630 : vector<4x4096xf32>
    %swap3A_632 = arith.constant 228 : index
    %swap3A_633 = arith.constant 0 : index
    %swap3A_634 = vector.load %arg3[%swap3A_632, %swap3A_633] : memref<256x4096xf32, #tpu.memory_space<vmem>>, vector<4x4096xf32>
    tpu.vector_store %arg3[%swap3A_632, %swap3A_633], %mul3A_631 {strides = array<i32>} : memref<256x4096xf32, #tpu.memory_space<vmem>>, vector<4x4096xf32>,
    %get3A_635 = arith.constant 232 : index
    %get3A_636 = arith.constant 0 : index
    %get3A_637 = vector.load %arg1[%get3A_635, %get3A_636] : memref<256x4096xf32, #tpu.memory_space<vmem>>, vector<4x4096xf32>
    %get3A_638 = arith.constant 58 : index
    %get3A_639 = arith.constant 0 : index
    %get3A_640 = vector.load %arg2[%get3A_638, %get3A_639] : memref<64x4096xf32, #tpu.memory_space<vmem>>, vector<1x4096xf32>
    %mul3A_641 = vector.broadcast %get3A_640 : vector<1x4096xf32> to vector<4x4096xf32>
    %mul3A_642 = arith.mulf %get3A_637, %mul3A_641 : vector<4x4096xf32>
    %swap3A_643 = arith.constant 232 : index
    %swap3A_644 = arith.constant 0 : index
    %swap3A_645 = vector.load %arg3[%swap3A_643, %swap3A_644] : memref<256x4096xf32, #tpu.memory_space<vmem>>, vector<4x4096xf32>
    tpu.vector_store %arg3[%swap3A_643, %swap3A_644], %mul3A_642 {strides = array<i32>} : memref<256x4096xf32, #tpu.memory_space<vmem>>, vector<4x4096xf32>,
    %get3A_646 = arith.constant 236 : index
    %get3A_647 = arith.constant 0 : index
    %get3A_648 = vector.load %arg1[%get3A_646, %get3A_647] : memref<256x4096xf32, #tpu.memory_space<vmem>>, vector<4x4096xf32>
    %get3A_649 = arith.constant 59 : index
    %get3A_650 = arith.constant 0 : index
    %get3A_651 = vector.load %arg2[%get3A_649, %get3A_650] : memref<64x4096xf32, #tpu.memory_space<vmem>>, vector<1x4096xf32>
    %mul3A_652 = vector.broadcast %get3A_651 : vector<1x4096xf32> to vector<4x4096xf32>
    %mul3A_653 = arith.mulf %get3A_648, %mul3A_652 : vector<4x4096xf32>
    %swap3A_654 = arith.constant 236 : index
    %swap3A_655 = arith.constant 0 : index
    %swap3A_656 = vector.load %arg3[%swap3A_654, %swap3A_655] : memref<256x4096xf32, #tpu.memory_space<vmem>>, vector<4x4096xf32>
    tpu.vector_store %arg3[%swap3A_654, %swap3A_655], %mul3A_653 {strides = array<i32>} : memref<256x4096xf32, #tpu.memory_space<vmem>>, vector<4x4096xf32>,
    %get3A_657 = arith.constant 240 : index
    %get3A_658 = arith.constant 0 : index
    %get3A_659 = vector.load %arg1[%get3A_657, %get3A_658] : memref<256x4096xf32, #tpu.memory_space<vmem>>, vector<4x4096xf32>
    %get3A_660 = arith.constant 60 : index
    %get3A_661 = arith.constant 0 : index
    %get3A_662 = vector.load %arg2[%get3A_660, %get3A_661] : memref<64x4096xf32, #tpu.memory_space<vmem>>, vector<1x4096xf32>
    %mul3A_663 = vector.broadcast %get3A_662 : vector<1x4096xf32> to vector<4x4096xf32>
    %mul3A_664 = arith.mulf %get3A_659, %mul3A_663 : vector<4x4096xf32>
    %swap3A_665 = arith.constant 240 : index
    %swap3A_666 = arith.constant 0 : index
    %swap3A_667 = vector.load %arg3[%swap3A_665, %swap3A_666] : memref<256x4096xf32, #tpu.memory_space<vmem>>, vector<4x4096xf32>
    tpu.vector_store %arg3[%swap3A_665, %swap3A_666], %mul3A_664 {strides = array<i32>} : memref<256x4096xf32, #tpu.memory_space<vmem>>, vector<4x4096xf32>,
    %get3A_668 = arith.constant 244 : index
    %get3A_669 = arith.constant 0 : index
    %get3A_670 = vector.load %arg1[%get3A_668, %get3A_669] : memref<256x4096xf32, #tpu.memory_space<vmem>>, vector<4x4096xf32>
    %get3A_671 = arith.constant 61 : index
    %get3A_672 = arith.constant 0 : index
    %get3A_673 = vector.load %arg2[%get3A_671, %get3A_672] : memref<64x4096xf32, #tpu.memory_space<vmem>>, vector<1x4096xf32>
    %mul3A_674 = vector.broadcast %get3A_673 : vector<1x4096xf32> to vector<4x4096xf32>
    %mul3A_675 = arith.mulf %get3A_670, %mul3A_674 : vector<4x4096xf32>
    %swap3A_676 = arith.constant 244 : index
    %swap3A_677 = arith.constant 0 : index
    %swap3A_678 = vector.load %arg3[%swap3A_676, %swap3A_677] : memref<256x4096xf32, #tpu.memory_space<vmem>>, vector<4x4096xf32>
    tpu.vector_store %arg3[%swap3A_676, %swap3A_677], %mul3A_675 {strides = array<i32>} : memref<256x4096xf32, #tpu.memory_space<vmem>>, vector<4x4096xf32>,
    %get3A_679 = arith.constant 248 : index
    %get3A_680 = arith.constant 0 : index
    %get3A_681 = vector.load %arg1[%get3A_679, %get3A_680] : memref<256x4096xf32, #tpu.memory_space<vmem>>, vector<4x4096xf32>
    %get3A_682 = arith.constant 62 : index
    %get3A_683 = arith.constant 0 : index
    %get3A_684 = vector.load %arg2[%get3A_682, %get3A_683] : memref<64x4096xf32, #tpu.memory_space<vmem>>, vector<1x4096xf32>
    %mul3A_685 = vector.broadcast %get3A_684 : vector<1x4096xf32> to vector<4x4096xf32>
    %mul3A_686 = arith.mulf %get3A_681, %mul3A_685 : vector<4x4096xf32>
    %swap3A_687 = arith.constant 248 : index
    %swap3A_688 = arith.constant 0 : index
    %swap3A_689 = vector.load %arg3[%swap3A_687, %swap3A_688] : memref<256x4096xf32, #tpu.memory_space<vmem>>, vector<4x4096xf32>
    tpu.vector_store %arg3[%swap3A_687, %swap3A_688], %mul3A_686 {strides = array<i32>} : memref<256x4096xf32, #tpu.memory_space<vmem>>, vector<4x4096xf32>,
    %get3A_690 = arith.constant 252 : index
    %get3A_691 = arith.constant 0 : index
    %get3A_692 = vector.load %arg1[%get3A_690, %get3A_691] : memref<256x4096xf32, #tpu.memory_space<vmem>>, vector<4x4096xf32>
    %get3A_693 = arith.constant 63 : index
    %get3A_694 = arith.constant 0 : index
    %get3A_695 = vector.load %arg2[%get3A_693, %get3A_694] : memref<64x4096xf32, #tpu.memory_space<vmem>>, vector<1x4096xf32>
    %mul3A_696 = vector.broadcast %get3A_695 : vector<1x4096xf32> to vector<4x4096xf32>
    %mul3A_697 = arith.mulf %get3A_692, %mul3A_696 : vector<4x4096xf32>
    %swap3A_698 = arith.constant 252 : index
    %swap3A_699 = arith.constant 0 : index
    %swap3A_700 = vector.load %arg3[%swap3A_698, %swap3A_699] : memref<256x4096xf32, #tpu.memory_space<vmem>>, vector<4x4096xf32>
    tpu.vector_store %arg3[%swap3A_698, %swap3A_699], %mul3A_697 {strides = array<i32>} : memref<256x4096xf32, #tpu.memory_space<vmem>>, vector<4x4096xf32>,
    return
  }
  func.func @transform_0(%arg0: i32) -> (i32, i32) {
    %c0_i32 = arith.constant 0 : i32
    %c0_i32_0 = arith.constant 0 : i32
    return %arg0, %c0_i32 : i32, i32
  }
  func.func @transform_1(%arg0: i32) -> (i32, i32) {
    %c0_i32 = arith.constant 0 : i32
    %c0_i32_0 = arith.constant 0 : i32
    return %arg0, %c0_i32 : i32, i32
  }
  func.func @transform_2(%arg0: i32) -> (i32, i32) {
    %c0_i32 = arith.constant 0 : i32
    %c0_i32_0 = arith.constant 0 : i32
    return %arg0, %c0_i32 : i32, i32
  }
}

</mosaic_0001>

<sc_bundles>
// kernel: kernel.4.cloned.1.call-start
scs
__scs_entry_jumppad:
0x0: {  	(pc) =	sbr.rel $0x88, $3  }
0x1: {  	(tag) =	ssettag $0x0;
	lr =	simm.s32 $0x1  }
0x2: {  	[smem:$0x3FA0] =	sst lr;
	_ =	strace $0xD0000000  }
0x3: {  	_ = 	snop  }
0x4: {  	_ = 	snop  }
0x5: {  	_ = 	snop  }
0x6: {  	_ = 	snop  }
0x7: {  	_ = 	snop  }
__scs_overlays_trampoline_lowered:
0x8: {  	[smem:$0x3FAF] =	sst s0  }
0x9: {  	[smem:$0x3FB0] =	sst s1  }
0xa: {  	[smem:$0x3FB1] =	sst s2  }
0xb: {  	[smem:$0x3FB2] =	sst s3  }
0xc: {  	[smem:$0x3FB3] =	sst s4  }
0xd: {  	[smem:$0x3FB4] =	sst s5  }
0xe: {  	[smem:$0x3FB5] =	sst s6  }
0xf: {  	[smem:$0x3FB6] =	sst s7  }
0x10: {  	[smem:$0x3FB7] =	sst s8  }
0x11: {  	[smem:$0x3FB8] =	sst s9;
	s0 =	simm.s32 @!p0 $0x0  }
0x12: {  	s1 =	sld [smem:$0x3F9E];
	s0 =	simm.s32 @p0 $0x1  }
0x13: {  	[smem:$0x3FB9] =	sst s0;
	s0 =	simm.s32 @!p1 $0x0  }
0x14: {  	s2 =	sld [smem:$0x3F9D];
	s0 =	simm.s32 @p1 $0x1  }
0x15: {  	[smem:$0x3FBA] =	sst s0;
	s0 =	simm.s32 @!p2 $0x0  }
0x16: {  	s3 =	sld [smem:$0x3FDB];
	s0 =	simm.s32 @p2 $0x1  }
0x17: {  	s4 =	simm.s32 $0x1BF5;
	[smem:$0x3FBC] =	sst s0  }
0x18: {  	s0 =	sld [smem:$0x3F9F];
	_ =	swait.ge [sflag:s4], $0x0  }
0x19: {  	s7 =	sld [smem:$0x3FA0]  }
0x1a: {  	s8 =	sadd.s32 $0xFFFFE003, lr  }
0x1b: {  	s9 =	sadd.s32 $0xFFFFFEF7, lr;
	s5 =	simm.s32 $0xFFFFFFFF;
	p2 =	slt.u32 s8, $0xFFFFF086  }
0x1c: {  	p1 =	slt.u32 s9, $0xF7A;
	s5 =	simm.s32 @!p2 $0x0  }
0x1d: {  	s5 =	simm.s32 @p1 $0x1;
	p0 =	seq.s32 s7, s2  }
0x1e: {  	s7 =	smul.u32 @!p0 $0xF7A, s2;
	p2 =	seq.s32 @!p0 s5, $0x0  }
0x1f: {  	s9 =	smul.u32 $0xF7A, s1;
	s8 =	simm.s32 @!p0 $0x1BF5;
	p2 =	por !p2, p0  }
0x20: {  	[sflag:s8] =	ssyncset.s32 @!p0 $0xFFFFF086;
	s6 =	sadd.s32 @!p0 s3, s7;
	s7 =	simm.s32 @!p0 $0x108  }
0x21: {  	s3 =	sadd.s32 s3, s9;
	s6 =	sadd.s32 @!p0 $0x88, s6;
	s7 =	simm.s32 @p2 $0x1082  }
0x22: {  	[simem:s7], [sflag:s8] =	dma.local @!p0 [hbm:s6], $0xF7A  }
0x23: {  	s9 =	sor.u32 $0xD0000000, s2;
	s6 =	simm.s32 $0x108;
	_ =	swait.ge @!p0 [sflag:s8], $0x0  }
0x24: {  	s3 =	sadd.s32 $0x88, s3;
	s6 =	simm.s32 @!p1 $0x1082;
	[sflag:s4] =	ssyncset.s32 $0xFFFFF086  }
0x25: {  	[simem:s6], [sflag:s4] =	dma.local [hbm:s3], $0xF7A  }
0x26: {  	[smem:$0x3FA0] =	sst s1;
	(tag) =	ssettag s2;
	_ =	strace s9  }
0x27: {  	s1 =	sld [smem:$0x3FB0]  }
0x28: {  	s2 =	sld [smem:$0x3FB1]  }
0x29: {  	s4 =	sld [smem:$0x3FB3]  }
0x2a: {  	p0 =	seq.s32 s5, $0x0;
	s5 =	sld [smem:$0x3FB4]  }
0x2b: {  	s6 =	sld [smem:$0x3FB5]  }
0x2c: {  	s7 =	sld [smem:$0x3FB6]  }
0x2d: {  	s3 =	simm.s32 $0x108;
	s8 =	sld [smem:$0x3FB7]  }
0x2e: {  	s3 =	simm.s32 @!p0 $0x1082;
	s9 =	sld [smem:$0x3FB8]  }
0x2f: {  	lr =	sadd.s32 s0, s3;
	s0 =	sld [smem:$0x3FAF]  }
0x30: {  	s3 =	sld [smem:$0x3FB2]  }
0x31: {  	[smem:$0x3FBB] =	sst s10  }
0x32: {  	s10 =	sld [smem:$0x3FB9];
	_ =	sdelay $0x3  }
0x33: {  	p0 =	seq.s32 s10, $0x1;
	s10 =	sld [smem:$0x3FBB];
	_ =	sdelay $0x3  }
0x34: {  	[smem:$0x3FBB] =	sst s10  }
0x35: {  	s10 =	sld [smem:$0x3FBA];
	_ =	sdelay $0x3  }
0x36: {  	p1 =	seq.s32 s10, $0x1;
	s10 =	sld [smem:$0x3FBB];
	_ =	sdelay $0x3  }
0x37: {  	[smem:$0x3FBB] =	sst s10  }
0x38: {  	s10 =	sld [smem:$0x3FBC]  }
0x39: {  	_ = 	snop;
	(pc) =	sbr.ind lr, $3  }
0x3a: {  	_ = 	snop  }
0x3b: {  	_ = 	snop  }
0x3c: {  	p2 =	seq.s32 s10, $0x1;
	s10 =	sld [smem:$0x3FBB]  }
0x3d: {  	_ =	shalt  }
0x3e: {  	_ =	shalt  }
0x3f: {  	_ =	shalt  }
0x40: {  	_ =	shalt  }
0x41: {  	_ =	shalt  }
0x42: {  	_ =	shalt  }
0x43: {  	_ =	shalt  }
0x44: {  	_ =	shalt  }
0x45: {  	_ =	shalt  }
0x46: {  	_ =	shalt  }
0x47: {  	_ =	shalt  }
0x48: {  	_ =	shalt  }
0x49: {  	_ =	shalt  }
0x4a: {  	_ =	shalt  }
0x4b: {  	_ =	shalt  }
0x4c: {  	_ =	shalt  }
0x4d: {  	_ =	shalt  }
0x4e: {  	_ =	shalt  }
0x4f: {  	_ =	shalt  }
0x50: {  	_ =	shalt  }
0x51: {  	_ =	shalt  }
0x52: {  	_ =	shalt  }
0x53: {  	_ =	shalt  }
0x54: {  	_ =	shalt  }
0x55: {  	_ =	shalt  }
0x56: {  	_ =	shalt  }
0x57: {  	_ =	shalt  }
0x58: {  	_ =	shalt  }
0x59: {  	_ =	shalt  }
0x5a: {  	_ =	shalt  }
0x5b: {  	_ =	shalt  }
0x5c: {  	_ =	shalt  }
0x5d: {  	_ =	shalt  }
0x5e: {  	_ =	shalt  }
0x5f: {  	_ =	shalt  }
0x60: {  	_ =	shalt  }
0x61: {  	_ =	shalt  }
0x62: {  	_ =	shalt  }
0x63: {  	_ =	shalt  }
0x64: {  	_ =	shalt  }
0x65: {  	_ =	shalt  }
0x66: {  	_ =	shalt  }
0x67: {  	_ =	shalt  }
0x68: {  	_ =	shalt  }
0x69: {  	_ =	shalt  }
0x6a: {  	_ =	shalt  }
0x6b: {  	_ =	shalt  }
0x6c: {  	_ =	shalt  }
0x6d: {  	_ =	shalt  }
0x6e: {  	_ =	shalt  }
0x6f: {  	_ =	shalt  }
0x70: {  	_ =	shalt  }
0x71: {  	_ =	shalt  }
0x72: {  	_ =	shalt  }
0x73: {  	_ =	shalt  }
0x74: {  	_ =	shalt  }
0x75: {  	_ =	shalt  }
0x76: {  	_ =	shalt  }
0x77: {  	_ =	shalt  }
0x78: {  	_ =	shalt  }
0x79: {  	_ =	shalt  }
0x7a: {  	_ =	shalt  }
0x7b: {  	_ =	shalt  }
0x7c: {  	_ =	shalt  }
0x7d: {  	_ =	shalt  }
0x7e: {  	_ =	shalt  }
0x7f: {  	_ =	shalt  }
0x80: {  	_ =	shalt  }
0x81: {  	_ =	shalt  }
0x82: {  	_ =	shalt  }
0x83: {  	_ =	shalt  }
0x84: {  	_ =	shalt  }
0x85: {  	_ =	shalt  }
0x86: {  	_ =	shalt  }
0x87: {  	_ =	shalt  }
.Lfunc_end0:
.L_simem_size_0:
called_computation_lowered:
.L_overlay_start_0:
0x88: {  	s2 =	sld [smem:$0x3FD9]  }
0x89: {  	s3 =	sld [smem:$0x3FFE];
	_ =	sdelay $0x1  }
0x8a: {  	s1 =	srdreg.scid  }
0x8b: {  	s0 =	sand.u32 $0x1, s1  }
0x8c: {  	s18 =	sshll.u32 s0, $0xA;
	s2 =	sadd.s32 s3, s2  }
0x8d: {  	s2 =	sadd.s32 s2, s18  }
0x8e: {  	[smem:$0x3FC7] =	sst s2  }
0x8f: {  	_ = 	snop  }
0x90: {  	s2 =	sld [smem:$0x3FD0];
	(tm) =	ssettm $0x1  }
0x91: {  	s19 =	sld [smem:$0x3FFB];
	_ =	sdelay $0x3  }
0x92: {  	_ =	strace s19  }
0x93: {  	s3 =	sld [smem:$0x3FFC];
	_ =	sdelay $0x3  }
0x94: {  	_ =	strace s3  }
0x95: {  	s3 =	sld [smem:$0x3FFD];
	_ =	sdelay $0x3  }
0x96: {  	_ =	strace s3  }
0x97: {  	_ =	strace $0x8FFFFFFF  }
0x98: {  	s20 =	sld [smem:$0x3FDB];
	_ =	sdelay $0x1  }
0x99: {  	s4 =	simm.s32 $_scs_section_size  }
0x9a: {  	s5 =	simm.s32 $_size__tile_overlayer_lowered;
	s6 =	simm.s32 $_tile_overlayer_lowered  }
0x9b: {  	s23 =	simm.s32 $0x1BFF;
	s22 =	sshll.u32 s6, $0x1;
	s3 =	sadd.s32 s4, s20  }
0x9c: {  	s7 =	simm.s32 $0x0;
	s21 =	sshll.u32 s5, $0x1;
	s5 =	sadd.s32 s22, s3  }
0x9d: {  	[timem:s7], [sflag:s23] =	dma.local [hbm:s5], s21  }
0x9e: {  	_ =	swait.ge [sflag:s23], s21  }
0x9f: {  	s4 =	ssub.s32 $0x0, s21;
	[sflag:s23] =	ssyncset.done $0x0  }
0xa0: {  	[sflag:s23] =	ssyncadd.s32 s4;
	_ =	sdelay $0x1  }
0xa1: {  	s24 =	simm.s32 $0x1B8B  }
0xa2: {  	_ =	swait.ge [sflag:s24], $0x1  }
0xa3: {  	[sflag:s24] =	ssyncset.done $0x0  }
0xa4: {  	s25 =	simm.s32 $0x1B8E;
	[sflag:s24] =	ssyncadd.s32 $0xFFFFFFFF  }
0xa5: {  	s26 =	simm.s32 $execute0_lowered;
	[smem:$0x3FD2] =	sst s25  }
0xa6: {  	s4 =	sshll.u32 s26, $0x1;
	_ =	strace $0x80000046;
	[dreg:$0x1] =	wrdreg $0xFFFFFFFF  }
0xa7: {  	s28 =	simm.s32 $_size_execute0_lowered;
	s3 =	sadd.s32 s3, s4;
	[dreg:$0x0] =	wrdreg $0x0  }
0xa8: {  	s4 =	sshll.u32 s28, $0x1;
	[dreg:$0x2] =	wrdreg s3  }
0xa9: {  	[dreg:$0x3] =	wrdreg s4  }
0xaa: {  	[dreg:$0x4] =	wrdreg $0xC0  }
0xab: {  	_ =	task [dreg:s7], $0x5FFFF  }
0xac: {  	[dreg:$0x1] =	wrdreg $0xFFFFFFFF  }
0xad: {  	[dreg:$0x0] =	wrdreg $0x60  }
0xae: {  	[dreg:$0x2] =	wrdreg s2  }
0xaf: {  	[dreg:$0x3] =	wrdreg $0x9  }
0xb0: {  	_ =	task.clear_ibuf [dreg:s7], $0x4FFFF;
	_ =	strace $0x90000046  }
0xb1: {  	s29 =	simm.s32 $0x9;
	_ =	strace $0x80000048  }
0xb2: {  	_ =	swait.ge [sflag:s29], $0x1  }
0xb3: {  	[sflag:s29] =	ssyncadd.s32 $0xFFFFFFFF  }
0xb4: {  	_ =	strace $0x90000048  }
0xb5: {  	_ =	sfence  }
0xb6: {  	s30 =	sld [smem:$0x0];
	_ =	sdelay $0x2  }
0xb7: {  	s31 =	sshll.u32 s1, $0xD;
	s1 =	sshrl.u32 s1, $0x2  }
0xb8: {  	s3 =	sand.u32 $0x4000, s31;
	s1 =	sadd.s32 s1, s30  }
0xb9: {  	s0 =	sor.u32 s3, s0;
	s1 =	sshll.u32 s1, $0x11  }
0xba: {  	s0 =	sor.u32 s1, s0  }
0xbb: {  	s0 =	sadd.s32 $0x8F2B, s0  }
0xbc: {  	[sflag:s0] =	ssyncadd.remote.s32 $0x1  }
0xbd: {  	_ =	sfence.sel $0xFFFF  }
0xbe: {  	[dreg:$0x0] =	wrdreg $0xFFFFFFFF;
	(pc) =	sbr.abs _section_cstart, $3  }
0xbf: {  	[dreg:$0x1] =	wrdreg $0xFFFFFFFF  }
0xc0: {  	_ =	task.clear_ibuf [dreg:s7], $0x2FFFF;
	_ =	strace $0x9FFFFFFF  }
0xc1: {  	(tm) =	ssettm $0x7FFFFFFF  }
tec
execute0_lowered:
.L_overlay_start_1:
0x0: {  	(tag) =	ssettag $0x1  }
0x1: {  	s3 =	rddreg [dreg:$0x0]  }
0x2: {  	s0 =	rddreg [dreg:$0x1];
	s2 =	simm.s32 $0x0;
	s1 =	srdreg.scid  }
0x3: {  	[smem:$0x7FF] =	sst s2;
	s4 =	sand.u32 $0x1, s1  }
0x4: {  	s1 =	stileid.u32;
	s5 =	ssub.s32 $0x2, s4;
	s4 =	sshll.u32 s4, $0xD  }
0x5: {  	s31 =	sshll.u32 s1, $0xE;
	s6 =	sshrl.u32 s5, $0x1;
	s3 =	sadd.s32 s3, s4  }
0x6: {  	_ =	strace $0x80000047;
	s5 =	ssub.s32 s5, s6;
	s3 =	sadd.s32 s31, s3  }
0x7: {  	v0 =	vimm.f32 $1.000000000e+00;
	s6 =	simm.s32 $0x0;
	s4 =	smax.u32 s5, $0x1;
	s5 =	simm.s32 $0x1  }
.LBB2_1:
0x8: {  	s8 =	simm.s32 $0x100;
	s7 =	simm.s32 $0x0  }
.LBB2_2:
0x9: {  	p0 =	sne.s32 s8, $0x3FF00;
	[tilespmem:s7+$0x30] =	vst v0;
	s9 =	smov.u32 s8;
	s8 =	sadd.s32 $0x100, s8  }
.Ltmp0:
0xa: {  	[tilespmem:s7+$0x20] =	vst v0;
	(pc) =	sbr.rel @p0 .LBB2_2-.Ltmp0, $3  }
0xb: {  	[tilespmem:s7+$0x0] =	vst v0  }
0xc: {  	[tilespmem:s7+$0x10] =	vst v0;
	_ =	sdelay $0x1  }
0xd: {  	s7 =	sshra.s32 s9, $0x2  }
0xe: {  	[tilespmem:s7+$0x30] =	vst v0  }
0xf: {  	[tilespmem:s7+$0x20] =	vst v0;
	s6 =	sadd.s32 $0x1, s6  }
0x10: {  	[tilespmem:s7+$0x0] =	vst v0;
	p0 =	sne.s32 s6, s4  }
.Ltmp1:
0x11: {  	[tilespmem:s7+$0x10] =	vst v0;
	(pc) =	sbr.rel @p0 .LBB2_1-.Ltmp1, $4  }
0x12: {  	[hbm4b:s3+s2] =	stream.linear.scatter [tilespmem:s2], [sflag:$0x1], $0x10000, $0x38;
	[tilespmem:$0x10000] =	vst v63  }
0x13: {  	_ =	swait.ge [sflag:s5], $0x10000  }
0x14: {  	[sflag:s5] =	ssyncset.done $0x0  }
0x15: {  	[sflag:s5] =	ssyncadd.s32 $0xFFFF0000  }
0x16: {  	_ =	sfence.sel $0x180000  }
0x17: {  	[bflag:$0x0] =	sbarrier.arrive $0xFFFF  }
0x18: {  	p0 =	sne.s32 s1, $0x0;
	_ =	strace $0x90000047  }
0x19: {  	s0 =	sadd.s32 @!p0 $0x100000, s0;
	[bflag:$0x2] =	sbarrier.arrive $0xFFFF  }
0x1a: {  	[sflag:s0] =	ssyncadd.tile.s32 @!p0 $0x1;
	_ =	shalt  }
.Lfunc_end2:
_tile_overlayer_lowered:
.L_overlay_start_2:
0x1b: {  	(tag) =	ssettag $0x2  }
0x1c: {  	s0 =	rddreg [dreg:$0x0];
	s2 =	stileid.u32  }
0x1d: {  	s1 =	rddreg [dreg:$0x1];
	p0 =	sne.s32 s2, $0x0  }
0x1e: {  	s3 =	rddreg [dreg:$0x2];
	[bflag:$0x3] =	sbarrier.arrive $0xFFFF;
	s2 =	simm.s32 @!p0 $0x1C01  }
0x1f: {  	[timem:s3], [sflag:s2] =	dma.local @!p0 [hbm:s0], s1  }
0x20: {  	s0 =	simm.s32 @!p0 $0x1  }
0x21: {  	_ =	swait.ge @!p0 [sflag:s0], s1  }
0x22: {  	s1 =	ssub.s32 @!p0 $0x0, s1;
	[sflag:s0] =	ssyncset.done @!p0 $0x0  }
0x23: {  	[sflag:s0] =	ssyncadd.s32 @!p0 s1  }
0x24: {  	[bflag:$0x3] =	sbarrier.arrive $0xFFFF  }
0x25: {  	_ =	shalt  }

</sc_bundles>
